<compile_context>
chip_gen: v7x
topology: tpu7x:2x2x1
jax: 0.10.2.dev20260603
libtpu: 0.0.44.dev20260713+nightly
codegen_flags: <defaults>
</compile_context>

<pallas_src>
import functools

import jax
import jax.numpy as jnp
from jax import lax
from jax.experimental import pallas as pl
from jax.experimental.pallas import tpu as pltpu
from jax.experimental.pallas import tpu_sc as plsc

D_MODEL = 128
NB = 8


@functools.lru_cache(maxsize=None)
def _build(n_batch: int, seq: int, n_vocab: int):
    info = plsc.get_sparse_core_info()
    nc, ns = info.num_cores, info.num_subcores
    nw = nc * ns
    bat_per_w = n_batch // nw
    n_blocks = bat_per_w // NB
    assert n_batch % nw == 0 and bat_per_w % NB == 0 and n_blocks % 2 == 0
    mesh = plsc.VectorSubcoreMesh(core_axis_name="c", subcore_axis_name="s")

    @functools.partial(
        pl.kernel,
        mesh=mesh,
        out_type=jax.ShapeDtypeStruct((n_batch, seq, D_MODEL), jnp.float32),
        scratch_types=[
            pltpu.VMEM((bat_per_w, seq), jnp.int32),
            pltpu.VMEM((2, NB, seq, D_MODEL), jnp.float32),
            pltpu.SemaphoreType.DMA,
            pltpu.SemaphoreType.DMA,
            pltpu.SemaphoreType.DMA,
            pltpu.SemaphoreType.DMA,
        ],
    )
    def k(idx_hbm, table_hbm, out_hbm, idx_v, rows_v, g0, g1, w0, w1):
        gsems = (g0, g1)
        wsems = (w0, w1)
        wid = lax.axis_index("s") * nc + lax.axis_index("c")
        base = wid * bat_per_w
        pltpu.sync_copy(idx_hbm.at[pl.ds(base, bat_per_w)], idx_v)

        def fire_block(kb, bb):
            for i in range(NB):
                pltpu.async_copy(
                    table_hbm.at[idx_v.at[kb * NB + i]],
                    rows_v.at[bb, i],
                    gsems[bb],
                )

        def drain_block(bb):
            pltpu.make_async_copy(
                out_hbm.at[pl.ds(base, NB)], rows_v.at[bb], gsems[bb]
            ).wait()

        fire_block(0, 0)

        def group(g, carry):
            for u in range(2):
                kb = g * 2 + u
                bb = u
                nxt = 1 - u

                @pl.when(kb + 1 < n_blocks)
                def _():
                    @pl.when(kb >= 1)
                    def _():
                        pltpu.make_async_copy(
                            rows_v.at[nxt],
                            out_hbm.at[pl.ds(base, NB)],
                            wsems[nxt],
                        ).wait()

                    fire_block(kb + 1, nxt)

                drain_block(bb)
                pltpu.async_copy(
                    rows_v.at[bb],
                    out_hbm.at[pl.ds(base + kb * NB, NB)],
                    wsems[bb],
                )
            return carry

        lax.fori_loop(0, n_blocks // 2, group, 0)

        for bb in range(2):
            pltpu.make_async_copy(
                rows_v.at[bb], out_hbm.at[pl.ds(base, NB)], wsems[bb]
            ).wait()

    return k


def kernel(indices, embedding):
    b, s = indices.shape
    v, d = embedding.shape
    out = _build(b, s, v)(indices.astype(jnp.int32), embedding)
    return out

# --- scband reference (transcript-rebuilt; emitter-appended) ---
"""Pipeline reference for scband-mask-embedding-28338194219120 (READ-ONLY COPY).

The authoritative reference and input builder live on the scoring server;
editing this copy changes nothing except your own understanding.
"""

import jax, jax.numpy as jnp
import numpy as np

MAX_N_SPANS = 1000
D_MODEL = 128

def setup_inputs(seed: int = 0) -> dict:
    key = jax.random.key(seed)
    k1, k2 = jax.random.split(key)
    indices = jax.random.randint(k1, (4096, 50), 0, MAX_N_SPANS, dtype=jnp.int64 if jax.config.jax_enable_x64 else jnp.int32)
    embedding = jax.random.normal(k2, (MAX_N_SPANS, D_MODEL), dtype=jnp.float32)
    return {"indices": indices, "embedding": embedding}

def reference(indices, embedding):
    # Faithful translation of F.embedding(indices, self.embedding)
    return jnp.take(embedding, indices, axis=0)

if __name__ == "__main__":
    import jax
    _d = setup_inputs()
    print(jax.jit(kernel)(*tuple(_d.values())))

</pallas_src>

<mosaic_0001>
#map = affine_map<(d0, d1) -> (0, 0)>
#map1 = affine_map<(d0, d1) -> (0, 0, 0)>
module attributes {stable_mosaic.version = 14 : i64} {
  func.func @k(%arg0: i32, %arg1: i32, %arg2: memref<4096x50xi32, #tpu.memory_space<hbm>>, %arg3: memref<1000x128xf32, #tpu.memory_space<hbm>>, %arg4: memref<4096x50x128xf32, #tpu.memory_space<hbm>>, %arg5: memref<128x50xi32, #tpu.memory_space<vmem>>, %arg6: memref<2x8x50x128xf32, #tpu.memory_space<vmem>>, %arg7: memref<!tpu.dma_semaphore, #tpu.memory_space<semaphore_mem>>, %arg8: memref<!tpu.dma_semaphore, #tpu.memory_space<semaphore_mem>>, %arg9: memref<!tpu.dma_semaphore, #tpu.memory_space<semaphore_mem>>, %arg10: memref<!tpu.dma_semaphore, #tpu.memory_space<semaphore_mem>>) attributes {dimension_semantics = [#tpu.dimension_semantics<core_parallel>, #tpu.dimension_semantics<subcore_parallel>], iteration_bounds = array<i64: 2, 16>, scalar_prefetch = 0 : i64, scratch_operands = 6 : i64, tpu.core_type = #tpu.core_type<sc_vector_subcore>, window_params = [{transform_indices = #map}, {transform_indices = #map}, {transform_indices = #map1}]} {
    %mul3A = arith.constant 2 : i32
    %mul3A_0 = arith.muli %arg1, %mul3A : i32
    %add3A = arith.addi %mul3A_0, %arg0 : i32
    %mul3A_1 = arith.constant 128 : i32
    %mul3A_2 = arith.muli %add3A, %mul3A_1 : i32
    "tpu.region"() ({
      %run_scoped3A = tpu.sem_alloc : memref<!tpu.dma_semaphore, #tpu.memory_space<semaphore_mem>>
      %dma_start3A_144 = arith.constant 0 : i32
      %dma_start3A_145 = tpu.memref_slice %arg2[%mul3A_2, %dma_start3A_144] : memref<4096x50xi32, #tpu.memory_space<hbm>> -> memref<128x50xi32, #tpu.memory_space<hbm>>
      %dma_start3A_146 = arith.constant 0 : i32
      %dma_start3A_147 = tpu.memref_slice %arg2[%mul3A_2, %dma_start3A_146] : memref<4096x50xi32, #tpu.memory_space<hbm>> -> memref<128x50xi32, #tpu.memory_space<hbm>>
      tpu.enqueue_dma source(%dma_start3A_147 : memref<128x50xi32, #tpu.memory_space<hbm>>) target(%arg5 : memref<128x50xi32, #tpu.memory_space<vmem>>) target_semaphore(%run_scoped3A : memref<!tpu.dma_semaphore, #tpu.memory_space<semaphore_mem>>)
      %dma_wait3A_148 = arith.constant 0 : i32
      %dma_wait3A_149 = tpu.memref_slice %arg2[%mul3A_2, %dma_wait3A_148] : memref<4096x50xi32, #tpu.memory_space<hbm>> -> memref<128x50xi32, #tpu.memory_space<hbm>>
      %dma_wait3A_150 = arith.constant 0 : i32
      %dma_wait3A_151 = tpu.memref_slice %arg2[%mul3A_2, %dma_wait3A_150] : memref<4096x50xi32, #tpu.memory_space<hbm>> -> memref<128x50xi32, #tpu.memory_space<hbm>>
      tpu.wait_dma2 semaphore(%run_scoped3A : memref<!tpu.dma_semaphore, #tpu.memory_space<semaphore_mem>>) src(%dma_wait3A_151 : memref<128x50xi32, #tpu.memory_space<hbm>>) dst(%arg5 : memref<128x50xi32, #tpu.memory_space<vmem>>)
      tpu.yield
    }) : () -> ()
    %dma_start3A = arith.constant 0 : i32
    %dma_start3A_3 = arith.constant 0 : i32
    %dma_start3A_4 = arith.constant 0 : i32
    %dma_start3A_5 = arith.constant 0 : i32
    %dma_start3A_6 = arith.constant 0 : i32
    %dma_start3A_7 = tpu.memref_slice %arg6[%dma_start3A_3, %dma_start3A_4, %dma_start3A_5, %dma_start3A_6] : memref<2x8x50x128xf32, #tpu.memory_space<vmem>> -> memref<1x1x50x128xf32, #tpu.memory_space<vmem>>
    %dma_start3A_8 = tpu.memref_squeeze %dma_start3A_7 : memref<1x1x50x128xf32, #tpu.memory_space<vmem>> -> memref<50x128xf32, #tpu.memory_space<vmem>>
    %dma_start3A_9 = arith.constant 0 : i32
    %dma_start3A_10 = tpu.memref_slice %arg5[%dma_start3A, %dma_start3A_9] : memref<128x50xi32, #tpu.memory_space<vmem>> -> memref<1x50xi32, #tpu.memory_space<vmem>>
    %dma_start3A_11 = tpu.memref_squeeze %dma_start3A_10 : memref<1x50xi32, #tpu.memory_space<vmem>> -> memref<50xi32, #tpu.memory_space<vmem>>
    %dma_start3A_12 = arith.constant 0 : i32
    %dma_start3A_13 = arith.constant 0 : i32
    %dma_start3A_14 = tpu.memref_slice %arg3[%dma_start3A_12, %dma_start3A_13] : memref<1000x128xf32, #tpu.memory_space<hbm>> -> memref<1000x128xf32, #tpu.memory_space<hbm>>
    tpu.enqueue_indirect_dma source(%dma_start3A_14 : memref<1000x128xf32, #tpu.memory_space<hbm>>) target(%dma_start3A_8 : memref<50x128xf32, #tpu.memory_space<vmem>>) offsets(%dma_start3A_11 : memref<50xi32, #tpu.memory_space<vmem>>) semaphore(%arg7 : memref<!tpu.dma_semaphore, #tpu.memory_space<semaphore_mem>>)
    %dma_start3A_15 = arith.constant 1 : i32
    %dma_start3A_16 = arith.constant 0 : i32
    %dma_start3A_17 = arith.constant 1 : i32
    %dma_start3A_18 = arith.constant 0 : i32
    %dma_start3A_19 = arith.constant 0 : i32
    %dma_start3A_20 = tpu.memref_slice %arg6[%dma_start3A_16, %dma_start3A_17, %dma_start3A_18, %dma_start3A_19] : memref<2x8x50x128xf32, #tpu.memory_space<vmem>> -> memref<1x1x50x128xf32, #tpu.memory_space<vmem>>
    %dma_start3A_21 = tpu.memref_squeeze %dma_start3A_20 : memref<1x1x50x128xf32, #tpu.memory_space<vmem>> -> memref<50x128xf32, #tpu.memory_space<vmem>>
    %dma_start3A_22 = arith.constant 0 : i32
    %dma_start3A_23 = tpu.memref_slice %arg5[%dma_start3A_15, %dma_start3A_22] : memref<128x50xi32, #tpu.memory_space<vmem>> -> memref<1x50xi32, #tpu.memory_space<vmem>>
    %dma_start3A_24 = tpu.memref_squeeze %dma_start3A_23 : memref<1x50xi32, #tpu.memory_space<vmem>> -> memref<50xi32, #tpu.memory_space<vmem>>
    %dma_start3A_25 = arith.constant 0 : i32
    %dma_start3A_26 = arith.constant 0 : i32
    %dma_start3A_27 = tpu.memref_slice %arg3[%dma_start3A_25, %dma_start3A_26] : memref<1000x128xf32, #tpu.memory_space<hbm>> -> memref<1000x128xf32, #tpu.memory_space<hbm>>
    tpu.enqueue_indirect_dma source(%dma_start3A_27 : memref<1000x128xf32, #tpu.memory_space<hbm>>) target(%dma_start3A_21 : memref<50x128xf32, #tpu.memory_space<vmem>>) offsets(%dma_start3A_24 : memref<50xi32, #tpu.memory_space<vmem>>) semaphore(%arg7 : memref<!tpu.dma_semaphore, #tpu.memory_space<semaphore_mem>>)
    %dma_start3A_28 = arith.constant 2 : i32
    %dma_start3A_29 = arith.constant 0 : i32
    %dma_start3A_30 = arith.constant 2 : i32
    %dma_start3A_31 = arith.constant 0 : i32
    %dma_start3A_32 = arith.constant 0 : i32
    %dma_start3A_33 = tpu.memref_slice %arg6[%dma_start3A_29, %dma_start3A_30, %dma_start3A_31, %dma_start3A_32] : memref<2x8x50x128xf32, #tpu.memory_space<vmem>> -> memref<1x1x50x128xf32, #tpu.memory_space<vmem>>
    %dma_start3A_34 = tpu.memref_squeeze %dma_start3A_33 : memref<1x1x50x128xf32, #tpu.memory_space<vmem>> -> memref<50x128xf32, #tpu.memory_space<vmem>>
    %dma_start3A_35 = arith.constant 0 : i32
    %dma_start3A_36 = tpu.memref_slice %arg5[%dma_start3A_28, %dma_start3A_35] : memref<128x50xi32, #tpu.memory_space<vmem>> -> memref<1x50xi32, #tpu.memory_space<vmem>>
    %dma_start3A_37 = tpu.memref_squeeze %dma_start3A_36 : memref<1x50xi32, #tpu.memory_space<vmem>> -> memref<50xi32, #tpu.memory_space<vmem>>
    %dma_start3A_38 = arith.constant 0 : i32
    %dma_start3A_39 = arith.constant 0 : i32
    %dma_start3A_40 = tpu.memref_slice %arg3[%dma_start3A_38, %dma_start3A_39] : memref<1000x128xf32, #tpu.memory_space<hbm>> -> memref<1000x128xf32, #tpu.memory_space<hbm>>
    tpu.enqueue_indirect_dma source(%dma_start3A_40 : memref<1000x128xf32, #tpu.memory_space<hbm>>) target(%dma_start3A_34 : memref<50x128xf32, #tpu.memory_space<vmem>>) offsets(%dma_start3A_37 : memref<50xi32, #tpu.memory_space<vmem>>) semaphore(%arg7 : memref<!tpu.dma_semaphore, #tpu.memory_space<semaphore_mem>>)
    %dma_start3A_41 = arith.constant 3 : i32
    %dma_start3A_42 = arith.constant 0 : i32
    %dma_start3A_43 = arith.constant 3 : i32
    %dma_start3A_44 = arith.constant 0 : i32
    %dma_start3A_45 = arith.constant 0 : i32
    %dma_start3A_46 = tpu.memref_slice %arg6[%dma_start3A_42, %dma_start3A_43, %dma_start3A_44, %dma_start3A_45] : memref<2x8x50x128xf32, #tpu.memory_space<vmem>> -> memref<1x1x50x128xf32, #tpu.memory_space<vmem>>
    %dma_start3A_47 = tpu.memref_squeeze %dma_start3A_46 : memref<1x1x50x128xf32, #tpu.memory_space<vmem>> -> memref<50x128xf32, #tpu.memory_space<vmem>>
    %dma_start3A_48 = arith.constant 0 : i32
    %dma_start3A_49 = tpu.memref_slice %arg5[%dma_start3A_41, %dma_start3A_48] : memref<128x50xi32, #tpu.memory_space<vmem>> -> memref<1x50xi32, #tpu.memory_space<vmem>>
    %dma_start3A_50 = tpu.memref_squeeze %dma_start3A_49 : memref<1x50xi32, #tpu.memory_space<vmem>> -> memref<50xi32, #tpu.memory_space<vmem>>
    %dma_start3A_51 = arith.constant 0 : i32
    %dma_start3A_52 = arith.constant 0 : i32
    %dma_start3A_53 = tpu.memref_slice %arg3[%dma_start3A_51, %dma_start3A_52] : memref<1000x128xf32, #tpu.memory_space<hbm>> -> memref<1000x128xf32, #tpu.memory_space<hbm>>
    tpu.enqueue_indirect_dma source(%dma_start3A_53 : memref<1000x128xf32, #tpu.memory_space<hbm>>) target(%dma_start3A_47 : memref<50x128xf32, #tpu.memory_space<vmem>>) offsets(%dma_start3A_50 : memref<50xi32, #tpu.memory_space<vmem>>) semaphore(%arg7 : memref<!tpu.dma_semaphore, #tpu.memory_space<semaphore_mem>>)
    %dma_start3A_54 = arith.constant 4 : i32
    %dma_start3A_55 = arith.constant 0 : i32
    %dma_start3A_56 = arith.constant 4 : i32
    %dma_start3A_57 = arith.constant 0 : i32
    %dma_start3A_58 = arith.constant 0 : i32
    %dma_start3A_59 = tpu.memref_slice %arg6[%dma_start3A_55, %dma_start3A_56, %dma_start3A_57, %dma_start3A_58] : memref<2x8x50x128xf32, #tpu.memory_space<vmem>> -> memref<1x1x50x128xf32, #tpu.memory_space<vmem>>
    %dma_start3A_60 = tpu.memref_squeeze %dma_start3A_59 : memref<1x1x50x128xf32, #tpu.memory_space<vmem>> -> memref<50x128xf32, #tpu.memory_space<vmem>>
    %dma_start3A_61 = arith.constant 0 : i32
    %dma_start3A_62 = tpu.memref_slice %arg5[%dma_start3A_54, %dma_start3A_61] : memref<128x50xi32, #tpu.memory_space<vmem>> -> memref<1x50xi32, #tpu.memory_space<vmem>>
    %dma_start3A_63 = tpu.memref_squeeze %dma_start3A_62 : memref<1x50xi32, #tpu.memory_space<vmem>> -> memref<50xi32, #tpu.memory_space<vmem>>
    %dma_start3A_64 = arith.constant 0 : i32
    %dma_start3A_65 = arith.constant 0 : i32
    %dma_start3A_66 = tpu.memref_slice %arg3[%dma_start3A_64, %dma_start3A_65] : memref<1000x128xf32, #tpu.memory_space<hbm>> -> memref<1000x128xf32, #tpu.memory_space<hbm>>
    tpu.enqueue_indirect_dma source(%dma_start3A_66 : memref<1000x128xf32, #tpu.memory_space<hbm>>) target(%dma_start3A_60 : memref<50x128xf32, #tpu.memory_space<vmem>>) offsets(%dma_start3A_63 : memref<50xi32, #tpu.memory_space<vmem>>) semaphore(%arg7 : memref<!tpu.dma_semaphore, #tpu.memory_space<semaphore_mem>>)
    %dma_start3A_67 = arith.constant 5 : i32
    %dma_start3A_68 = arith.constant 0 : i32
    %dma_start3A_69 = arith.constant 5 : i32
    %dma_start3A_70 = arith.constant 0 : i32
    %dma_start3A_71 = arith.constant 0 : i32
    %dma_start3A_72 = tpu.memref_slice %arg6[%dma_start3A_68, %dma_start3A_69, %dma_start3A_70, %dma_start3A_71] : memref<2x8x50x128xf32, #tpu.memory_space<vmem>> -> memref<1x1x50x128xf32, #tpu.memory_space<vmem>>
    %dma_start3A_73 = tpu.memref_squeeze %dma_start3A_72 : memref<1x1x50x128xf32, #tpu.memory_space<vmem>> -> memref<50x128xf32, #tpu.memory_space<vmem>>
    %dma_start3A_74 = arith.constant 0 : i32
    %dma_start3A_75 = tpu.memref_slice %arg5[%dma_start3A_67, %dma_start3A_74] : memref<128x50xi32, #tpu.memory_space<vmem>> -> memref<1x50xi32, #tpu.memory_space<vmem>>
    %dma_start3A_76 = tpu.memref_squeeze %dma_start3A_75 : memref<1x50xi32, #tpu.memory_space<vmem>> -> memref<50xi32, #tpu.memory_space<vmem>>
    %dma_start3A_77 = arith.constant 0 : i32
    %dma_start3A_78 = arith.constant 0 : i32
    %dma_start3A_79 = tpu.memref_slice %arg3[%dma_start3A_77, %dma_start3A_78] : memref<1000x128xf32, #tpu.memory_space<hbm>> -> memref<1000x128xf32, #tpu.memory_space<hbm>>
    tpu.enqueue_indirect_dma source(%dma_start3A_79 : memref<1000x128xf32, #tpu.memory_space<hbm>>) target(%dma_start3A_73 : memref<50x128xf32, #tpu.memory_space<vmem>>) offsets(%dma_start3A_76 : memref<50xi32, #tpu.memory_space<vmem>>) semaphore(%arg7 : memref<!tpu.dma_semaphore, #tpu.memory_space<semaphore_mem>>)
    %dma_start3A_80 = arith.constant 6 : i32
    %dma_start3A_81 = arith.constant 0 : i32
    %dma_start3A_82 = arith.constant 6 : i32
    %dma_start3A_83 = arith.constant 0 : i32
    %dma_start3A_84 = arith.constant 0 : i32
    %dma_start3A_85 = tpu.memref_slice %arg6[%dma_start3A_81, %dma_start3A_82, %dma_start3A_83, %dma_start3A_84] : memref<2x8x50x128xf32, #tpu.memory_space<vmem>> -> memref<1x1x50x128xf32, #tpu.memory_space<vmem>>
    %dma_start3A_86 = tpu.memref_squeeze %dma_start3A_85 : memref<1x1x50x128xf32, #tpu.memory_space<vmem>> -> memref<50x128xf32, #tpu.memory_space<vmem>>
    %dma_start3A_87 = arith.constant 0 : i32
    %dma_start3A_88 = tpu.memref_slice %arg5[%dma_start3A_80, %dma_start3A_87] : memref<128x50xi32, #tpu.memory_space<vmem>> -> memref<1x50xi32, #tpu.memory_space<vmem>>
    %dma_start3A_89 = tpu.memref_squeeze %dma_start3A_88 : memref<1x50xi32, #tpu.memory_space<vmem>> -> memref<50xi32, #tpu.memory_space<vmem>>
    %dma_start3A_90 = arith.constant 0 : i32
    %dma_start3A_91 = arith.constant 0 : i32
    %dma_start3A_92 = tpu.memref_slice %arg3[%dma_start3A_90, %dma_start3A_91] : memref<1000x128xf32, #tpu.memory_space<hbm>> -> memref<1000x128xf32, #tpu.memory_space<hbm>>
    tpu.enqueue_indirect_dma source(%dma_start3A_92 : memref<1000x128xf32, #tpu.memory_space<hbm>>) target(%dma_start3A_86 : memref<50x128xf32, #tpu.memory_space<vmem>>) offsets(%dma_start3A_89 : memref<50xi32, #tpu.memory_space<vmem>>) semaphore(%arg7 : memref<!tpu.dma_semaphore, #tpu.memory_space<semaphore_mem>>)
    %dma_start3A_93 = arith.constant 7 : i32
    %dma_start3A_94 = arith.constant 0 : i32
    %dma_start3A_95 = arith.constant 7 : i32
    %dma_start3A_96 = arith.constant 0 : i32
    %dma_start3A_97 = arith.constant 0 : i32
    %dma_start3A_98 = tpu.memref_slice %arg6[%dma_start3A_94, %dma_start3A_95, %dma_start3A_96, %dma_start3A_97] : memref<2x8x50x128xf32, #tpu.memory_space<vmem>> -> memref<1x1x50x128xf32, #tpu.memory_space<vmem>>
    %dma_start3A_99 = tpu.memref_squeeze %dma_start3A_98 : memref<1x1x50x128xf32, #tpu.memory_space<vmem>> -> memref<50x128xf32, #tpu.memory_space<vmem>>
    %dma_start3A_100 = arith.constant 0 : i32
    %dma_start3A_101 = tpu.memref_slice %arg5[%dma_start3A_93, %dma_start3A_100] : memref<128x50xi32, #tpu.memory_space<vmem>> -> memref<1x50xi32, #tpu.memory_space<vmem>>
    %dma_start3A_102 = tpu.memref_squeeze %dma_start3A_101 : memref<1x50xi32, #tpu.memory_space<vmem>> -> memref<50xi32, #tpu.memory_space<vmem>>
    %dma_start3A_103 = arith.constant 0 : i32
    %dma_start3A_104 = arith.constant 0 : i32
    %dma_start3A_105 = tpu.memref_slice %arg3[%dma_start3A_103, %dma_start3A_104] : memref<1000x128xf32, #tpu.memory_space<hbm>> -> memref<1000x128xf32, #tpu.memory_space<hbm>>
    tpu.enqueue_indirect_dma source(%dma_start3A_105 : memref<1000x128xf32, #tpu.memory_space<hbm>>) target(%dma_start3A_99 : memref<50x128xf32, #tpu.memory_space<vmem>>) offsets(%dma_start3A_102 : memref<50xi32, #tpu.memory_space<vmem>>) semaphore(%arg7 : memref<!tpu.dma_semaphore, #tpu.memory_space<semaphore_mem>>)
    %scan3A = arith.constant 0 : i32
    %scan3A_106 = arith.constant 0 : i32
    %scan3A_107 = arith.constant 8 : i32
    %scan3A_108 = arith.addi %scan3A_106, %scan3A_107 : i32
    %scan3A_109 = arith.constant 1 : i32
    scf.for %scan3A_144 = %scan3A_106 to %scan3A_108 step %scan3A_109  : i32 {
      %mul3A_145 = arith.constant 2 : i32
      %mul3A_146 = arith.muli %scan3A_144, %mul3A_145 : i32
      %add3A_147 = arith.constant 0 : i32
      %add3A_148 = arith.addi %mul3A_146, %add3A_147 : i32
      %add3A_149 = arith.constant 1 : i32
      %add3A_150 = arith.addi %add3A_148, %add3A_149 : i32
      %lt3A = arith.constant 16 : i32
      %lt3A_151 = arith.cmpi slt, %add3A_150, %lt3A : i32
      %convert_element_type3A = arith.extui %lt3A_151 : i1 to i32
      %cond3A = arith.constant 0 : i32
      %cond3A_152 = arith.cmpi ne, %convert_element_type3A, %cond3A : i32
      scf.if %cond3A_152 {
        %ge3A = arith.constant 1 : i32
        %ge3A_238 = arith.cmpi sge, %add3A_148, %ge3A : i32
        %convert_element_type3A_239 = arith.extui %ge3A_238 : i1 to i32
        %cond3A_240 = arith.constant 0 : i32
        %cond3A_241 = arith.cmpi ne, %convert_element_type3A_239, %cond3A_240 : i32
        scf.if %cond3A_241 {
          %dma_wait3A_372 = arith.constant 1 : i32
          %dma_wait3A_373 = arith.constant 0 : i32
          %dma_wait3A_374 = arith.constant 0 : i32
          %dma_wait3A_375 = arith.constant 0 : i32
          %dma_wait3A_376 = tpu.memref_slice %arg6[%dma_wait3A_372, %dma_wait3A_373, %dma_wait3A_374, %dma_wait3A_375] : memref<2x8x50x128xf32, #tpu.memory_space<vmem>> -> memref<1x8x50x128xf32, #tpu.memory_space<vmem>>
          %dma_wait3A_377 = tpu.memref_squeeze %dma_wait3A_376 : memref<1x8x50x128xf32, #tpu.memory_space<vmem>> -> memref<8x50x128xf32, #tpu.memory_space<vmem>>
          %dma_wait3A_378 = arith.constant 0 : i32
          %dma_wait3A_379 = arith.constant 0 : i32
          %dma_wait3A_380 = tpu.memref_slice %arg4[%mul3A_2, %dma_wait3A_378, %dma_wait3A_379] : memref<4096x50x128xf32, #tpu.memory_space<hbm>> -> memref<8x50x128xf32, #tpu.memory_space<hbm>>
          %dma_wait3A_381 = arith.constant 0 : i32
          %dma_wait3A_382 = arith.constant 0 : i32
          %dma_wait3A_383 = tpu.memref_slice %arg4[%mul3A_2, %dma_wait3A_381, %dma_wait3A_382] : memref<4096x50x128xf32, #tpu.memory_space<hbm>> -> memref<8x50x128xf32, #tpu.memory_space<hbm>>
          %dma_wait3A_384 = arith.constant 0 : i32
          %dma_wait3A_385 = arith.constant 0 : i32
          %dma_wait3A_386 = arith.constant 0 : i32
          %dma_wait3A_387 = tpu.memref_slice %arg6[%dma_wait3A_372, %dma_wait3A_384, %dma_wait3A_385, %dma_wait3A_386] : memref<2x8x50x128xf32, #tpu.memory_space<vmem>> -> memref<1x8x50x128xf32, #tpu.memory_space<vmem>>
          %dma_wait3A_388 = tpu.memref_squeeze %dma_wait3A_387 : memref<1x8x50x128xf32, #tpu.memory_space<vmem>> -> memref<8x50x128xf32, #tpu.memory_space<vmem>>
          tpu.wait_dma2 semaphore(%arg10 : memref<!tpu.dma_semaphore, #tpu.memory_space<semaphore_mem>>) src(%dma_wait3A_388 : memref<8x50x128xf32, #tpu.memory_space<vmem>>) dst(%dma_wait3A_383 : memref<8x50x128xf32, #tpu.memory_space<hbm>>)
        } else {
        }
        %add3A_242 = arith.constant 1 : i32
        %add3A_243 = arith.addi %add3A_148, %add3A_242 : i32
        %mul3A_244 = arith.constant 8 : i32
        %mul3A_245 = arith.muli %add3A_243, %mul3A_244 : i32
        %add3A_246 = arith.constant 0 : i32
        %add3A_247 = arith.addi %mul3A_245, %add3A_246 : i32
        %dma_start3A_248 = arith.constant 1 : i32
        %dma_start3A_249 = arith.constant 0 : i32
        %dma_start3A_250 = arith.constant 0 : i32
        %dma_start3A_251 = arith.constant 0 : i32
        %dma_start3A_252 = tpu.memref_slice %arg6[%dma_start3A_248, %dma_start3A_249, %dma_start3A_250, %dma_start3A_251] : memref<2x8x50x128xf32, #tpu.memory_space<vmem>> -> memref<1x1x50x128xf32, #tpu.memory_space<vmem>>
        %dma_start3A_253 = tpu.memref_squeeze %dma_start3A_252 : memref<1x1x50x128xf32, #tpu.memory_space<vmem>> -> memref<50x128xf32, #tpu.memory_space<vmem>>
        %dma_start3A_254 = arith.constant 0 : i32
        %dma_start3A_255 = tpu.memref_slice %arg5[%add3A_247, %dma_start3A_254] : memref<128x50xi32, #tpu.memory_space<vmem>> -> memref<1x50xi32, #tpu.memory_space<vmem>>
        %dma_start3A_256 = tpu.memref_squeeze %dma_start3A_255 : memref<1x50xi32, #tpu.memory_space<vmem>> -> memref<50xi32, #tpu.memory_space<vmem>>
        %dma_start3A_257 = arith.constant 0 : i32
        %dma_start3A_258 = arith.constant 0 : i32
        %dma_start3A_259 = tpu.memref_slice %arg3[%dma_start3A_257, %dma_start3A_258] : memref<1000x128xf32, #tpu.memory_space<hbm>> -> memref<1000x128xf32, #tpu.memory_space<hbm>>
        tpu.enqueue_indirect_dma source(%dma_start3A_259 : memref<1000x128xf32, #tpu.memory_space<hbm>>) target(%dma_start3A_253 : memref<50x128xf32, #tpu.memory_space<vmem>>) offsets(%dma_start3A_256 : memref<50xi32, #tpu.memory_space<vmem>>) semaphore(%arg8 : memref<!tpu.dma_semaphore, #tpu.memory_space<semaphore_mem>>)
        %mul3A_260 = arith.constant 8 : i32
        %mul3A_261 = arith.muli %add3A_243, %mul3A_260 : i32
        %add3A_262 = arith.constant 1 : i32
        %add3A_263 = arith.addi %mul3A_261, %add3A_262 : i32
        %dma_start3A_264 = arith.constant 1 : i32
        %dma_start3A_265 = arith.constant 1 : i32
        %dma_start3A_266 = arith.constant 0 : i32
        %dma_start3A_267 = arith.constant 0 : i32
        %dma_start3A_268 = tpu.memref_slice %arg6[%dma_start3A_264, %dma_start3A_265, %dma_start3A_266, %dma_start3A_267] : memref<2x8x50x128xf32, #tpu.memory_space<vmem>> -> memref<1x1x50x128xf32, #tpu.memory_space<vmem>>
        %dma_start3A_269 = tpu.memref_squeeze %dma_start3A_268 : memref<1x1x50x128xf32, #tpu.memory_space<vmem>> -> memref<50x128xf32, #tpu.memory_space<vmem>>
        %dma_start3A_270 = arith.constant 0 : i32
        %dma_start3A_271 = tpu.memref_slice %arg5[%add3A_263, %dma_start3A_270] : memref<128x50xi32, #tpu.memory_space<vmem>> -> memref<1x50xi32, #tpu.memory_space<vmem>>
        %dma_start3A_272 = tpu.memref_squeeze %dma_start3A_271 : memref<1x50xi32, #tpu.memory_space<vmem>> -> memref<50xi32, #tpu.memory_space<vmem>>
        %dma_start3A_273 = arith.constant 0 : i32
        %dma_start3A_274 = arith.constant 0 : i32
        %dma_start3A_275 = tpu.memref_slice %arg3[%dma_start3A_273, %dma_start3A_274] : memref<1000x128xf32, #tpu.memory_space<hbm>> -> memref<1000x128xf32, #tpu.memory_space<hbm>>
        tpu.enqueue_indirect_dma source(%dma_start3A_275 : memref<1000x128xf32, #tpu.memory_space<hbm>>) target(%dma_start3A_269 : memref<50x128xf32, #tpu.memory_space<vmem>>) offsets(%dma_start3A_272 : memref<50xi32, #tpu.memory_space<vmem>>) semaphore(%arg8 : memref<!tpu.dma_semaphore, #tpu.memory_space<semaphore_mem>>)
        %mul3A_276 = arith.constant 8 : i32
        %mul3A_277 = arith.muli %add3A_243, %mul3A_276 : i32
        %add3A_278 = arith.constant 2 : i32
        %add3A_279 = arith.addi %mul3A_277, %add3A_278 : i32
        %dma_start3A_280 = arith.constant 1 : i32
        %dma_start3A_281 = arith.constant 2 : i32
        %dma_start3A_282 = arith.constant 0 : i32
        %dma_start3A_283 = arith.constant 0 : i32
        %dma_start3A_284 = tpu.memref_slice %arg6[%dma_start3A_280, %dma_start3A_281, %dma_start3A_282, %dma_start3A_283] : memref<2x8x50x128xf32, #tpu.memory_space<vmem>> -> memref<1x1x50x128xf32, #tpu.memory_space<vmem>>
        %dma_start3A_285 = tpu.memref_squeeze %dma_start3A_284 : memref<1x1x50x128xf32, #tpu.memory_space<vmem>> -> memref<50x128xf32, #tpu.memory_space<vmem>>
        %dma_start3A_286 = arith.constant 0 : i32
        %dma_start3A_287 = tpu.memref_slice %arg5[%add3A_279, %dma_start3A_286] : memref<128x50xi32, #tpu.memory_space<vmem>> -> memref<1x50xi32, #tpu.memory_space<vmem>>
        %dma_start3A_288 = tpu.memref_squeeze %dma_start3A_287 : memref<1x50xi32, #tpu.memory_space<vmem>> -> memref<50xi32, #tpu.memory_space<vmem>>
        %dma_start3A_289 = arith.constant 0 : i32
        %dma_start3A_290 = arith.constant 0 : i32
        %dma_start3A_291 = tpu.memref_slice %arg3[%dma_start3A_289, %dma_start3A_290] : memref<1000x128xf32, #tpu.memory_space<hbm>> -> memref<1000x128xf32, #tpu.memory_space<hbm>>
        tpu.enqueue_indirect_dma source(%dma_start3A_291 : memref<1000x128xf32, #tpu.memory_space<hbm>>) target(%dma_start3A_285 : memref<50x128xf32, #tpu.memory_space<vmem>>) offsets(%dma_start3A_288 : memref<50xi32, #tpu.memory_space<vmem>>) semaphore(%arg8 : memref<!tpu.dma_semaphore, #tpu.memory_space<semaphore_mem>>)
        %mul3A_292 = arith.constant 8 : i32
        %mul3A_293 = arith.muli %add3A_243, %mul3A_292 : i32
        %add3A_294 = arith.constant 3 : i32
        %add3A_295 = arith.addi %mul3A_293, %add3A_294 : i32
        %dma_start3A_296 = arith.constant 1 : i32
        %dma_start3A_297 = arith.constant 3 : i32
        %dma_start3A_298 = arith.constant 0 : i32
        %dma_start3A_299 = arith.constant 0 : i32
        %dma_start3A_300 = tpu.memref_slice %arg6[%dma_start3A_296, %dma_start3A_297, %dma_start3A_298, %dma_start3A_299] : memref<2x8x50x128xf32, #tpu.memory_space<vmem>> -> memref<1x1x50x128xf32, #tpu.memory_space<vmem>>
        %dma_start3A_301 = tpu.memref_squeeze %dma_start3A_300 : memref<1x1x50x128xf32, #tpu.memory_space<vmem>> -> memref<50x128xf32, #tpu.memory_space<vmem>>
        %dma_start3A_302 = arith.constant 0 : i32
        %dma_start3A_303 = tpu.memref_slice %arg5[%add3A_295, %dma_start3A_302] : memref<128x50xi32, #tpu.memory_space<vmem>> -> memref<1x50xi32, #tpu.memory_space<vmem>>
        %dma_start3A_304 = tpu.memref_squeeze %dma_start3A_303 : memref<1x50xi32, #tpu.memory_space<vmem>> -> memref<50xi32, #tpu.memory_space<vmem>>
        %dma_start3A_305 = arith.constant 0 : i32
        %dma_start3A_306 = arith.constant 0 : i32
        %dma_start3A_307 = tpu.memref_slice %arg3[%dma_start3A_305, %dma_start3A_306] : memref<1000x128xf32, #tpu.memory_space<hbm>> -> memref<1000x128xf32, #tpu.memory_space<hbm>>
        tpu.enqueue_indirect_dma source(%dma_start3A_307 : memref<1000x128xf32, #tpu.memory_space<hbm>>) target(%dma_start3A_301 : memref<50x128xf32, #tpu.memory_space<vmem>>) offsets(%dma_start3A_304 : memref<50xi32, #tpu.memory_space<vmem>>) semaphore(%arg8 : memref<!tpu.dma_semaphore, #tpu.memory_space<semaphore_mem>>)
        %mul3A_308 = arith.constant 8 : i32
        %mul3A_309 = arith.muli %add3A_243, %mul3A_308 : i32
        %add3A_310 = arith.constant 4 : i32
        %add3A_311 = arith.addi %mul3A_309, %add3A_310 : i32
        %dma_start3A_312 = arith.constant 1 : i32
        %dma_start3A_313 = arith.constant 4 : i32
        %dma_start3A_314 = arith.constant 0 : i32
        %dma_start3A_315 = arith.constant 0 : i32
        %dma_start3A_316 = tpu.memref_slice %arg6[%dma_start3A_312, %dma_start3A_313, %dma_start3A_314, %dma_start3A_315] : memref<2x8x50x128xf32, #tpu.memory_space<vmem>> -> memref<1x1x50x128xf32, #tpu.memory_space<vmem>>
        %dma_start3A_317 = tpu.memref_squeeze %dma_start3A_316 : memref<1x1x50x128xf32, #tpu.memory_space<vmem>> -> memref<50x128xf32, #tpu.memory_space<vmem>>
        %dma_start3A_318 = arith.constant 0 : i32
        %dma_start3A_319 = tpu.memref_slice %arg5[%add3A_311, %dma_start3A_318] : memref<128x50xi32, #tpu.memory_space<vmem>> -> memref<1x50xi32, #tpu.memory_space<vmem>>
        %dma_start3A_320 = tpu.memref_squeeze %dma_start3A_319 : memref<1x50xi32, #tpu.memory_space<vmem>> -> memref<50xi32, #tpu.memory_space<vmem>>
        %dma_start3A_321 = arith.constant 0 : i32
        %dma_start3A_322 = arith.constant 0 : i32
        %dma_start3A_323 = tpu.memref_slice %arg3[%dma_start3A_321, %dma_start3A_322] : memref<1000x128xf32, #tpu.memory_space<hbm>> -> memref<1000x128xf32, #tpu.memory_space<hbm>>
        tpu.enqueue_indirect_dma source(%dma_start3A_323 : memref<1000x128xf32, #tpu.memory_space<hbm>>) target(%dma_start3A_317 : memref<50x128xf32, #tpu.memory_space<vmem>>) offsets(%dma_start3A_320 : memref<50xi32, #tpu.memory_space<vmem>>) semaphore(%arg8 : memref<!tpu.dma_semaphore, #tpu.memory_space<semaphore_mem>>)
        %mul3A_324 = arith.constant 8 : i32
        %mul3A_325 = arith.muli %add3A_243, %mul3A_324 : i32
        %add3A_326 = arith.constant 5 : i32
        %add3A_327 = arith.addi %mul3A_325, %add3A_326 : i32
        %dma_start3A_328 = arith.constant 1 : i32
        %dma_start3A_329 = arith.constant 5 : i32
        %dma_start3A_330 = arith.constant 0 : i32
        %dma_start3A_331 = arith.constant 0 : i32
        %dma_start3A_332 = tpu.memref_slice %arg6[%dma_start3A_328, %dma_start3A_329, %dma_start3A_330, %dma_start3A_331] : memref<2x8x50x128xf32, #tpu.memory_space<vmem>> -> memref<1x1x50x128xf32, #tpu.memory_space<vmem>>
        %dma_start3A_333 = tpu.memref_squeeze %dma_start3A_332 : memref<1x1x50x128xf32, #tpu.memory_space<vmem>> -> memref<50x128xf32, #tpu.memory_space<vmem>>
        %dma_start3A_334 = arith.constant 0 : i32
        %dma_start3A_335 = tpu.memref_slice %arg5[%add3A_327, %dma_start3A_334] : memref<128x50xi32, #tpu.memory_space<vmem>> -> memref<1x50xi32, #tpu.memory_space<vmem>>
        %dma_start3A_336 = tpu.memref_squeeze %dma_start3A_335 : memref<1x50xi32, #tpu.memory_space<vmem>> -> memref<50xi32, #tpu.memory_space<vmem>>
        %dma_start3A_337 = arith.constant 0 : i32
        %dma_start3A_338 = arith.constant 0 : i32
        %dma_start3A_339 = tpu.memref_slice %arg3[%dma_start3A_337, %dma_start3A_338] : memref<1000x128xf32, #tpu.memory_space<hbm>> -> memref<1000x128xf32, #tpu.memory_space<hbm>>
        tpu.enqueue_indirect_dma source(%dma_start3A_339 : memref<1000x128xf32, #tpu.memory_space<hbm>>) target(%dma_start3A_333 : memref<50x128xf32, #tpu.memory_space<vmem>>) offsets(%dma_start3A_336 : memref<50xi32, #tpu.memory_space<vmem>>) semaphore(%arg8 : memref<!tpu.dma_semaphore, #tpu.memory_space<semaphore_mem>>)
        %mul3A_340 = arith.constant 8 : i32
        %mul3A_341 = arith.muli %add3A_243, %mul3A_340 : i32
        %add3A_342 = arith.constant 6 : i32
        %add3A_343 = arith.addi %mul3A_341, %add3A_342 : i32
        %dma_start3A_344 = arith.constant 1 : i32
        %dma_start3A_345 = arith.constant 6 : i32
        %dma_start3A_346 = arith.constant 0 : i32
        %dma_start3A_347 = arith.constant 0 : i32
        %dma_start3A_348 = tpu.memref_slice %arg6[%dma_start3A_344, %dma_start3A_345, %dma_start3A_346, %dma_start3A_347] : memref<2x8x50x128xf32, #tpu.memory_space<vmem>> -> memref<1x1x50x128xf32, #tpu.memory_space<vmem>>
        %dma_start3A_349 = tpu.memref_squeeze %dma_start3A_348 : memref<1x1x50x128xf32, #tpu.memory_space<vmem>> -> memref<50x128xf32, #tpu.memory_space<vmem>>
        %dma_start3A_350 = arith.constant 0 : i32
        %dma_start3A_351 = tpu.memref_slice %arg5[%add3A_343, %dma_start3A_350] : memref<128x50xi32, #tpu.memory_space<vmem>> -> memref<1x50xi32, #tpu.memory_space<vmem>>
        %dma_start3A_352 = tpu.memref_squeeze %dma_start3A_351 : memref<1x50xi32, #tpu.memory_space<vmem>> -> memref<50xi32, #tpu.memory_space<vmem>>
        %dma_start3A_353 = arith.constant 0 : i32
        %dma_start3A_354 = arith.constant 0 : i32
        %dma_start3A_355 = tpu.memref_slice %arg3[%dma_start3A_353, %dma_start3A_354] : memref<1000x128xf32, #tpu.memory_space<hbm>> -> memref<1000x128xf32, #tpu.memory_space<hbm>>
        tpu.enqueue_indirect_dma source(%dma_start3A_355 : memref<1000x128xf32, #tpu.memory_space<hbm>>) target(%dma_start3A_349 : memref<50x128xf32, #tpu.memory_space<vmem>>) offsets(%dma_start3A_352 : memref<50xi32, #tpu.memory_space<vmem>>) semaphore(%arg8 : memref<!tpu.dma_semaphore, #tpu.memory_space<semaphore_mem>>)
        %mul3A_356 = arith.constant 8 : i32
        %mul3A_357 = arith.muli %add3A_243, %mul3A_356 : i32
        %add3A_358 = arith.constant 7 : i32
        %add3A_359 = arith.addi %mul3A_357, %add3A_358 : i32
        %dma_start3A_360 = arith.constant 1 : i32
        %dma_start3A_361 = arith.constant 7 : i32
        %dma_start3A_362 = arith.constant 0 : i32
        %dma_start3A_363 = arith.constant 0 : i32
        %dma_start3A_364 = tpu.memref_slice %arg6[%dma_start3A_360, %dma_start3A_361, %dma_start3A_362, %dma_start3A_363] : memref<2x8x50x128xf32, #tpu.memory_space<vmem>> -> memref<1x1x50x128xf32, #tpu.memory_space<vmem>>
        %dma_start3A_365 = tpu.memref_squeeze %dma_start3A_364 : memref<1x1x50x128xf32, #tpu.memory_space<vmem>> -> memref<50x128xf32, #tpu.memory_space<vmem>>
        %dma_start3A_366 = arith.constant 0 : i32
        %dma_start3A_367 = tpu.memref_slice %arg5[%add3A_359, %dma_start3A_366] : memref<128x50xi32, #tpu.memory_space<vmem>> -> memref<1x50xi32, #tpu.memory_space<vmem>>
        %dma_start3A_368 = tpu.memref_squeeze %dma_start3A_367 : memref<1x50xi32, #tpu.memory_space<vmem>> -> memref<50xi32, #tpu.memory_space<vmem>>
        %dma_start3A_369 = arith.constant 0 : i32
        %dma_start3A_370 = arith.constant 0 : i32
        %dma_start3A_371 = tpu.memref_slice %arg3[%dma_start3A_369, %dma_start3A_370] : memref<1000x128xf32, #tpu.memory_space<hbm>> -> memref<1000x128xf32, #tpu.memory_space<hbm>>
        tpu.enqueue_indirect_dma source(%dma_start3A_371 : memref<1000x128xf32, #tpu.memory_space<hbm>>) target(%dma_start3A_365 : memref<50x128xf32, #tpu.memory_space<vmem>>) offsets(%dma_start3A_368 : memref<50xi32, #tpu.memory_space<vmem>>) semaphore(%arg8 : memref<!tpu.dma_semaphore, #tpu.memory_space<semaphore_mem>>)
      } else {
      }
      %dma_wait3A_153 = arith.constant 0 : i32
      %dma_wait3A_154 = arith.constant 0 : i32
      %dma_wait3A_155 = arith.constant 0 : i32
      %dma_wait3A_156 = arith.constant 0 : i32
      %dma_wait3A_157 = tpu.memref_slice %arg6[%dma_wait3A_153, %dma_wait3A_154, %dma_wait3A_155, %dma_wait3A_156] : memref<2x8x50x128xf32, #tpu.memory_space<vmem>> -> memref<1x8x50x128xf32, #tpu.memory_space<vmem>>
      %dma_wait3A_158 = tpu.memref_squeeze %dma_wait3A_157 : memref<1x8x50x128xf32, #tpu.memory_space<vmem>> -> memref<8x50x128xf32, #tpu.memory_space<vmem>>
      %dma_wait3A_159 = arith.constant 0 : i32
      %dma_wait3A_160 = arith.constant 0 : i32
      %dma_wait3A_161 = tpu.memref_slice %arg4[%mul3A_2, %dma_wait3A_159, %dma_wait3A_160] : memref<4096x50x128xf32, #tpu.memory_space<hbm>> -> memref<8x50x128xf32, #tpu.memory_space<hbm>>
      %dma_wait3A_162 = arith.constant 0 : i32
      %dma_wait3A_163 = arith.constant 0 : i32
      %dma_wait3A_164 = arith.constant 0 : i32
      %dma_wait3A_165 = tpu.memref_slice %arg6[%dma_wait3A_153, %dma_wait3A_162, %dma_wait3A_163, %dma_wait3A_164] : memref<2x8x50x128xf32, #tpu.memory_space<vmem>> -> memref<1x8x50x128xf32, #tpu.memory_space<vmem>>
      %dma_wait3A_166 = tpu.memref_squeeze %dma_wait3A_165 : memref<1x8x50x128xf32, #tpu.memory_space<vmem>> -> memref<8x50x128xf32, #tpu.memory_space<vmem>>
      %dma_wait3A_167 = arith.constant 0 : i32
      %dma_wait3A_168 = arith.constant 0 : i32
      %dma_wait3A_169 = tpu.memref_slice %arg4[%mul3A_2, %dma_wait3A_167, %dma_wait3A_168] : memref<4096x50x128xf32, #tpu.memory_space<hbm>> -> memref<8x50x128xf32, #tpu.memory_space<hbm>>
      tpu.wait_dma2 semaphore(%arg7 : memref<!tpu.dma_semaphore, #tpu.memory_space<semaphore_mem>>) src(%dma_wait3A_169 : memref<8x50x128xf32, #tpu.memory_space<hbm>>) dst(%dma_wait3A_166 : memref<8x50x128xf32, #tpu.memory_space<vmem>>)
      %mul3A_170 = arith.constant 8 : i32
      %mul3A_171 = arith.muli %add3A_148, %mul3A_170 : i32
      %add3A_172 = arith.addi %mul3A_2, %mul3A_171 : i32
      %dma_start3A_173 = arith.constant 0 : i32
      %dma_start3A_174 = arith.constant 0 : i32
      %dma_start3A_175 = arith.constant 0 : i32
      %dma_start3A_176 = arith.constant 0 : i32
      %dma_start3A_177 = tpu.memref_slice %arg6[%dma_start3A_173, %dma_start3A_174, %dma_start3A_175, %dma_start3A_176] : memref<2x8x50x128xf32, #tpu.memory_space<vmem>> -> memref<1x8x50x128xf32, #tpu.memory_space<vmem>>
      %dma_start3A_178 = tpu.memref_squeeze %dma_start3A_177 : memref<1x8x50x128xf32, #tpu.memory_space<vmem>> -> memref<8x50x128xf32, #tpu.memory_space<vmem>>
      %dma_start3A_179 = arith.constant 0 : i32
      %dma_start3A_180 = arith.constant 0 : i32
      %dma_start3A_181 = tpu.memref_slice %arg4[%add3A_172, %dma_start3A_179, %dma_start3A_180] : memref<4096x50x128xf32, #tpu.memory_space<hbm>> -> memref<8x50x128xf32, #tpu.memory_space<hbm>>
      %dma_start3A_182 = arith.constant 0 : i32
      %dma_start3A_183 = arith.constant 0 : i32
      %dma_start3A_184 = tpu.memref_slice %arg4[%add3A_172, %dma_start3A_182, %dma_start3A_183] : memref<4096x50x128xf32, #tpu.memory_space<hbm>> -> memref<8x50x128xf32, #tpu.memory_space<hbm>>
      %dma_start3A_185 = arith.constant 0 : i32
      %dma_start3A_186 = arith.constant 0 : i32
      %dma_start3A_187 = arith.constant 0 : i32
      %dma_start3A_188 = tpu.memref_slice %arg6[%dma_start3A_173, %dma_start3A_185, %dma_start3A_186, %dma_start3A_187] : memref<2x8x50x128xf32, #tpu.memory_space<vmem>> -> memref<1x8x50x128xf32, #tpu.memory_space<vmem>>
      %dma_start3A_189 = tpu.memref_squeeze %dma_start3A_188 : memref<1x8x50x128xf32, #tpu.memory_space<vmem>> -> memref<8x50x128xf32, #tpu.memory_space<vmem>>
      tpu.enqueue_dma source(%dma_start3A_189 : memref<8x50x128xf32, #tpu.memory_space<vmem>>) target(%dma_start3A_184 : memref<8x50x128xf32, #tpu.memory_space<hbm>>) target_semaphore(%arg9 : memref<!tpu.dma_semaphore, #tpu.memory_space<semaphore_mem>>)
      %mul3A_190 = arith.constant 2 : i32
      %mul3A_191 = arith.muli %scan3A_144, %mul3A_190 : i32
      %add3A_192 = arith.constant 1 : i32
      %add3A_193 = arith.addi %mul3A_191, %add3A_192 : i32
      %add3A_194 = arith.constant 1 : i32
      %add3A_195 = arith.addi %add3A_193, %add3A_194 : i32
      %lt3A_196 = arith.constant 16 : i32
      %lt3A_197 = arith.cmpi slt, %add3A_195, %lt3A_196 : i32
      %convert_element_type3A_198 = arith.extui %lt3A_197 : i1 to i32
      %cond3A_199 = arith.constant 0 : i32
      %cond3A_200 = arith.cmpi ne, %convert_element_type3A_198, %cond3A_199 : i32
      scf.if %cond3A_200 {
        %ge3A = arith.constant 1 : i32
        %ge3A_238 = arith.cmpi sge, %add3A_193, %ge3A : i32
        %convert_element_type3A_239 = arith.extui %ge3A_238 : i1 to i32
        %cond3A_240 = arith.constant 0 : i32
        %cond3A_241 = arith.cmpi ne, %convert_element_type3A_239, %cond3A_240 : i32
        scf.if %cond3A_241 {
          %dma_wait3A_372 = arith.constant 0 : i32
          %dma_wait3A_373 = arith.constant 0 : i32
          %dma_wait3A_374 = arith.constant 0 : i32
          %dma_wait3A_375 = arith.constant 0 : i32
          %dma_wait3A_376 = tpu.memref_slice %arg6[%dma_wait3A_372, %dma_wait3A_373, %dma_wait3A_374, %dma_wait3A_375] : memref<2x8x50x128xf32, #tpu.memory_space<vmem>> -> memref<1x8x50x128xf32, #tpu.memory_space<vmem>>
          %dma_wait3A_377 = tpu.memref_squeeze %dma_wait3A_376 : memref<1x8x50x128xf32, #tpu.memory_space<vmem>> -> memref<8x50x128xf32, #tpu.memory_space<vmem>>
          %dma_wait3A_378 = arith.constant 0 : i32
          %dma_wait3A_379 = arith.constant 0 : i32
          %dma_wait3A_380 = tpu.memref_slice %arg4[%mul3A_2, %dma_wait3A_378, %dma_wait3A_379] : memref<4096x50x128xf32, #tpu.memory_space<hbm>> -> memref<8x50x128xf32, #tpu.memory_space<hbm>>
          %dma_wait3A_381 = arith.constant 0 : i32
          %dma_wait3A_382 = arith.constant 0 : i32
          %dma_wait3A_383 = tpu.memref_slice %arg4[%mul3A_2, %dma_wait3A_381, %dma_wait3A_382] : memref<4096x50x128xf32, #tpu.memory_space<hbm>> -> memref<8x50x128xf32, #tpu.memory_space<hbm>>
          %dma_wait3A_384 = arith.constant 0 : i32
          %dma_wait3A_385 = arith.constant 0 : i32
          %dma_wait3A_386 = arith.constant 0 : i32
          %dma_wait3A_387 = tpu.memref_slice %arg6[%dma_wait3A_372, %dma_wait3A_384, %dma_wait3A_385, %dma_wait3A_386] : memref<2x8x50x128xf32, #tpu.memory_space<vmem>> -> memref<1x8x50x128xf32, #tpu.memory_space<vmem>>
          %dma_wait3A_388 = tpu.memref_squeeze %dma_wait3A_387 : memref<1x8x50x128xf32, #tpu.memory_space<vmem>> -> memref<8x50x128xf32, #tpu.memory_space<vmem>>
          tpu.wait_dma2 semaphore(%arg9 : memref<!tpu.dma_semaphore, #tpu.memory_space<semaphore_mem>>) src(%dma_wait3A_388 : memref<8x50x128xf32, #tpu.memory_space<vmem>>) dst(%dma_wait3A_383 : memref<8x50x128xf32, #tpu.memory_space<hbm>>)
        } else {
        }
        %add3A_242 = arith.constant 1 : i32
        %add3A_243 = arith.addi %add3A_193, %add3A_242 : i32
        %mul3A_244 = arith.constant 8 : i32
        %mul3A_245 = arith.muli %add3A_243, %mul3A_244 : i32
        %add3A_246 = arith.constant 0 : i32
        %add3A_247 = arith.addi %mul3A_245, %add3A_246 : i32
        %dma_start3A_248 = arith.constant 0 : i32
        %dma_start3A_249 = arith.constant 0 : i32
        %dma_start3A_250 = arith.constant 0 : i32
        %dma_start3A_251 = arith.constant 0 : i32
        %dma_start3A_252 = tpu.memref_slice %arg6[%dma_start3A_248, %dma_start3A_249, %dma_start3A_250, %dma_start3A_251] : memref<2x8x50x128xf32, #tpu.memory_space<vmem>> -> memref<1x1x50x128xf32, #tpu.memory_space<vmem>>
        %dma_start3A_253 = tpu.memref_squeeze %dma_start3A_252 : memref<1x1x50x128xf32, #tpu.memory_space<vmem>> -> memref<50x128xf32, #tpu.memory_space<vmem>>
        %dma_start3A_254 = arith.constant 0 : i32
        %dma_start3A_255 = tpu.memref_slice %arg5[%add3A_247, %dma_start3A_254] : memref<128x50xi32, #tpu.memory_space<vmem>> -> memref<1x50xi32, #tpu.memory_space<vmem>>
        %dma_start3A_256 = tpu.memref_squeeze %dma_start3A_255 : memref<1x50xi32, #tpu.memory_space<vmem>> -> memref<50xi32, #tpu.memory_space<vmem>>
        %dma_start3A_257 = arith.constant 0 : i32
        %dma_start3A_258 = arith.constant 0 : i32
        %dma_start3A_259 = tpu.memref_slice %arg3[%dma_start3A_257, %dma_start3A_258] : memref<1000x128xf32, #tpu.memory_space<hbm>> -> memref<1000x128xf32, #tpu.memory_space<hbm>>
        tpu.enqueue_indirect_dma source(%dma_start3A_259 : memref<1000x128xf32, #tpu.memory_space<hbm>>) target(%dma_start3A_253 : memref<50x128xf32, #tpu.memory_space<vmem>>) offsets(%dma_start3A_256 : memref<50xi32, #tpu.memory_space<vmem>>) semaphore(%arg7 : memref<!tpu.dma_semaphore, #tpu.memory_space<semaphore_mem>>)
        %mul3A_260 = arith.constant 8 : i32
        %mul3A_261 = arith.muli %add3A_243, %mul3A_260 : i32
        %add3A_262 = arith.constant 1 : i32
        %add3A_263 = arith.addi %mul3A_261, %add3A_262 : i32
        %dma_start3A_264 = arith.constant 0 : i32
        %dma_start3A_265 = arith.constant 1 : i32
        %dma_start3A_266 = arith.constant 0 : i32
        %dma_start3A_267 = arith.constant 0 : i32
        %dma_start3A_268 = tpu.memref_slice %arg6[%dma_start3A_264, %dma_start3A_265, %dma_start3A_266, %dma_start3A_267] : memref<2x8x50x128xf32, #tpu.memory_space<vmem>> -> memref<1x1x50x128xf32, #tpu.memory_space<vmem>>
        %dma_start3A_269 = tpu.memref_squeeze %dma_start3A_268 : memref<1x1x50x128xf32, #tpu.memory_space<vmem>> -> memref<50x128xf32, #tpu.memory_space<vmem>>
        %dma_start3A_270 = arith.constant 0 : i32
        %dma_start3A_271 = tpu.memref_slice %arg5[%add3A_263, %dma_start3A_270] : memref<128x50xi32, #tpu.memory_space<vmem>> -> memref<1x50xi32, #tpu.memory_space<vmem>>
        %dma_start3A_272 = tpu.memref_squeeze %dma_start3A_271 : memref<1x50xi32, #tpu.memory_space<vmem>> -> memref<50xi32, #tpu.memory_space<vmem>>
        %dma_start3A_273 = arith.constant 0 : i32
        %dma_start3A_274 = arith.constant 0 : i32
        %dma_start3A_275 = tpu.memref_slice %arg3[%dma_start3A_273, %dma_start3A_274] : memref<1000x128xf32, #tpu.memory_space<hbm>> -> memref<1000x128xf32, #tpu.memory_space<hbm>>
        tpu.enqueue_indirect_dma source(%dma_start3A_275 : memref<1000x128xf32, #tpu.memory_space<hbm>>) target(%dma_start3A_269 : memref<50x128xf32, #tpu.memory_space<vmem>>) offsets(%dma_start3A_272 : memref<50xi32, #tpu.memory_space<vmem>>) semaphore(%arg7 : memref<!tpu.dma_semaphore, #tpu.memory_space<semaphore_mem>>)
        %mul3A_276 = arith.constant 8 : i32
        %mul3A_277 = arith.muli %add3A_243, %mul3A_276 : i32
        %add3A_278 = arith.constant 2 : i32
        %add3A_279 = arith.addi %mul3A_277, %add3A_278 : i32
        %dma_start3A_280 = arith.constant 0 : i32
        %dma_start3A_281 = arith.constant 2 : i32
        %dma_start3A_282 = arith.constant 0 : i32
        %dma_start3A_283 = arith.constant 0 : i32
        %dma_start3A_284 = tpu.memref_slice %arg6[%dma_start3A_280, %dma_start3A_281, %dma_start3A_282, %dma_start3A_283] : memref<2x8x50x128xf32, #tpu.memory_space<vmem>> -> memref<1x1x50x128xf32, #tpu.memory_space<vmem>>
        %dma_start3A_285 = tpu.memref_squeeze %dma_start3A_284 : memref<1x1x50x128xf32, #tpu.memory_space<vmem>> -> memref<50x128xf32, #tpu.memory_space<vmem>>
        %dma_start3A_286 = arith.constant 0 : i32
        %dma_start3A_287 = tpu.memref_slice %arg5[%add3A_279, %dma_start3A_286] : memref<128x50xi32, #tpu.memory_space<vmem>> -> memref<1x50xi32, #tpu.memory_space<vmem>>
        %dma_start3A_288 = tpu.memref_squeeze %dma_start3A_287 : memref<1x50xi32, #tpu.memory_space<vmem>> -> memref<50xi32, #tpu.memory_space<vmem>>
        %dma_start3A_289 = arith.constant 0 : i32
        %dma_start3A_290 = arith.constant 0 : i32
        %dma_start3A_291 = tpu.memref_slice %arg3[%dma_start3A_289, %dma_start3A_290] : memref<1000x128xf32, #tpu.memory_space<hbm>> -> memref<1000x128xf32, #tpu.memory_space<hbm>>
        tpu.enqueue_indirect_dma source(%dma_start3A_291 : memref<1000x128xf32, #tpu.memory_space<hbm>>) target(%dma_start3A_285 : memref<50x128xf32, #tpu.memory_space<vmem>>) offsets(%dma_start3A_288 : memref<50xi32, #tpu.memory_space<vmem>>) semaphore(%arg7 : memref<!tpu.dma_semaphore, #tpu.memory_space<semaphore_mem>>)
        %mul3A_292 = arith.constant 8 : i32
        %mul3A_293 = arith.muli %add3A_243, %mul3A_292 : i32
        %add3A_294 = arith.constant 3 : i32
        %add3A_295 = arith.addi %mul3A_293, %add3A_294 : i32
        %dma_start3A_296 = arith.constant 0 : i32
        %dma_start3A_297 = arith.constant 3 : i32
        %dma_start3A_298 = arith.constant 0 : i32
        %dma_start3A_299 = arith.constant 0 : i32
        %dma_start3A_300 = tpu.memref_slice %arg6[%dma_start3A_296, %dma_start3A_297, %dma_start3A_298, %dma_start3A_299] : memref<2x8x50x128xf32, #tpu.memory_space<vmem>> -> memref<1x1x50x128xf32, #tpu.memory_space<vmem>>
        %dma_start3A_301 = tpu.memref_squeeze %dma_start3A_300 : memref<1x1x50x128xf32, #tpu.memory_space<vmem>> -> memref<50x128xf32, #tpu.memory_space<vmem>>
        %dma_start3A_302 = arith.constant 0 : i32
        %dma_start3A_303 = tpu.memref_slice %arg5[%add3A_295, %dma_start3A_302] : memref<128x50xi32, #tpu.memory_space<vmem>> -> memref<1x50xi32, #tpu.memory_space<vmem>>
        %dma_start3A_304 = tpu.memref_squeeze %dma_start3A_303 : memref<1x50xi32, #tpu.memory_space<vmem>> -> memref<50xi32, #tpu.memory_space<vmem>>
        %dma_start3A_305 = arith.constant 0 : i32
        %dma_start3A_306 = arith.constant 0 : i32
        %dma_start3A_307 = tpu.memref_slice %arg3[%dma_start3A_305, %dma_start3A_306] : memref<1000x128xf32, #tpu.memory_space<hbm>> -> memref<1000x128xf32, #tpu.memory_space<hbm>>
        tpu.enqueue_indirect_dma source(%dma_start3A_307 : memref<1000x128xf32, #tpu.memory_space<hbm>>) target(%dma_start3A_301 : memref<50x128xf32, #tpu.memory_space<vmem>>) offsets(%dma_start3A_304 : memref<50xi32, #tpu.memory_space<vmem>>) semaphore(%arg7 : memref<!tpu.dma_semaphore, #tpu.memory_space<semaphore_mem>>)
        %mul3A_308 = arith.constant 8 : i32
        %mul3A_309 = arith.muli %add3A_243, %mul3A_308 : i32
        %add3A_310 = arith.constant 4 : i32
        %add3A_311 = arith.addi %mul3A_309, %add3A_310 : i32
        %dma_start3A_312 = arith.constant 0 : i32
        %dma_start3A_313 = arith.constant 4 : i32
        %dma_start3A_314 = arith.constant 0 : i32
        %dma_start3A_315 = arith.constant 0 : i32
        %dma_start3A_316 = tpu.memref_slice %arg6[%dma_start3A_312, %dma_start3A_313, %dma_start3A_314, %dma_start3A_315] : memref<2x8x50x128xf32, #tpu.memory_space<vmem>> -> memref<1x1x50x128xf32, #tpu.memory_space<vmem>>
        %dma_start3A_317 = tpu.memref_squeeze %dma_start3A_316 : memref<1x1x50x128xf32, #tpu.memory_space<vmem>> -> memref<50x128xf32, #tpu.memory_space<vmem>>
        %dma_start3A_318 = arith.constant 0 : i32
        %dma_start3A_319 = tpu.memref_slice %arg5[%add3A_311, %dma_start3A_318] : memref<128x50xi32, #tpu.memory_space<vmem>> -> memref<1x50xi32, #tpu.memory_space<vmem>>
        %dma_start3A_320 = tpu.memref_squeeze %dma_start3A_319 : memref<1x50xi32, #tpu.memory_space<vmem>> -> memref<50xi32, #tpu.memory_space<vmem>>
        %dma_start3A_321 = arith.constant 0 : i32
        %dma_start3A_322 = arith.constant 0 : i32
        %dma_start3A_323 = tpu.memref_slice %arg3[%dma_start3A_321, %dma_start3A_322] : memref<1000x128xf32, #tpu.memory_space<hbm>> -> memref<1000x128xf32, #tpu.memory_space<hbm>>
        tpu.enqueue_indirect_dma source(%dma_start3A_323 : memref<1000x128xf32, #tpu.memory_space<hbm>>) target(%dma_start3A_317 : memref<50x128xf32, #tpu.memory_space<vmem>>) offsets(%dma_start3A_320 : memref<50xi32, #tpu.memory_space<vmem>>) semaphore(%arg7 : memref<!tpu.dma_semaphore, #tpu.memory_space<semaphore_mem>>)
        %mul3A_324 = arith.constant 8 : i32
        %mul3A_325 = arith.muli %add3A_243, %mul3A_324 : i32
        %add3A_326 = arith.constant 5 : i32
        %add3A_327 = arith.addi %mul3A_325, %add3A_326 : i32
        %dma_start3A_328 = arith.constant 0 : i32
        %dma_start3A_329 = arith.constant 5 : i32
        %dma_start3A_330 = arith.constant 0 : i32
        %dma_start3A_331 = arith.constant 0 : i32
        %dma_start3A_332 = tpu.memref_slice %arg6[%dma_start3A_328, %dma_start3A_329, %dma_start3A_330, %dma_start3A_331] : memref<2x8x50x128xf32, #tpu.memory_space<vmem>> -> memref<1x1x50x128xf32, #tpu.memory_space<vmem>>
        %dma_start3A_333 = tpu.memref_squeeze %dma_start3A_332 : memref<1x1x50x128xf32, #tpu.memory_space<vmem>> -> memref<50x128xf32, #tpu.memory_space<vmem>>
        %dma_start3A_334 = arith.constant 0 : i32
        %dma_start3A_335 = tpu.memref_slice %arg5[%add3A_327, %dma_start3A_334] : memref<128x50xi32, #tpu.memory_space<vmem>> -> memref<1x50xi32, #tpu.memory_space<vmem>>
        %dma_start3A_336 = tpu.memref_squeeze %dma_start3A_335 : memref<1x50xi32, #tpu.memory_space<vmem>> -> memref<50xi32, #tpu.memory_space<vmem>>
        %dma_start3A_337 = arith.constant 0 : i32
        %dma_start3A_338 = arith.constant 0 : i32
        %dma_start3A_339 = tpu.memref_slice %arg3[%dma_start3A_337, %dma_start3A_338] : memref<1000x128xf32, #tpu.memory_space<hbm>> -> memref<1000x128xf32, #tpu.memory_space<hbm>>
        tpu.enqueue_indirect_dma source(%dma_start3A_339 : memref<1000x128xf32, #tpu.memory_space<hbm>>) target(%dma_start3A_333 : memref<50x128xf32, #tpu.memory_space<vmem>>) offsets(%dma_start3A_336 : memref<50xi32, #tpu.memory_space<vmem>>) semaphore(%arg7 : memref<!tpu.dma_semaphore, #tpu.memory_space<semaphore_mem>>)
        %mul3A_340 = arith.constant 8 : i32
        %mul3A_341 = arith.muli %add3A_243, %mul3A_340 : i32
        %add3A_342 = arith.constant 6 : i32
        %add3A_343 = arith.addi %mul3A_341, %add3A_342 : i32
        %dma_start3A_344 = arith.constant 0 : i32
        %dma_start3A_345 = arith.constant 6 : i32
        %dma_start3A_346 = arith.constant 0 : i32
        %dma_start3A_347 = arith.constant 0 : i32
        %dma_start3A_348 = tpu.memref_slice %arg6[%dma_start3A_344, %dma_start3A_345, %dma_start3A_346, %dma_start3A_347] : memref<2x8x50x128xf32, #tpu.memory_space<vmem>> -> memref<1x1x50x128xf32, #tpu.memory_space<vmem>>
        %dma_start3A_349 = tpu.memref_squeeze %dma_start3A_348 : memref<1x1x50x128xf32, #tpu.memory_space<vmem>> -> memref<50x128xf32, #tpu.memory_space<vmem>>
        %dma_start3A_350 = arith.constant 0 : i32
        %dma_start3A_351 = tpu.memref_slice %arg5[%add3A_343, %dma_start3A_350] : memref<128x50xi32, #tpu.memory_space<vmem>> -> memref<1x50xi32, #tpu.memory_space<vmem>>
        %dma_start3A_352 = tpu.memref_squeeze %dma_start3A_351 : memref<1x50xi32, #tpu.memory_space<vmem>> -> memref<50xi32, #tpu.memory_space<vmem>>
        %dma_start3A_353 = arith.constant 0 : i32
        %dma_start3A_354 = arith.constant 0 : i32
        %dma_start3A_355 = tpu.memref_slice %arg3[%dma_start3A_353, %dma_start3A_354] : memref<1000x128xf32, #tpu.memory_space<hbm>> -> memref<1000x128xf32, #tpu.memory_space<hbm>>
        tpu.enqueue_indirect_dma source(%dma_start3A_355 : memref<1000x128xf32, #tpu.memory_space<hbm>>) target(%dma_start3A_349 : memref<50x128xf32, #tpu.memory_space<vmem>>) offsets(%dma_start3A_352 : memref<50xi32, #tpu.memory_space<vmem>>) semaphore(%arg7 : memref<!tpu.dma_semaphore, #tpu.memory_space<semaphore_mem>>)
        %mul3A_356 = arith.constant 8 : i32
        %mul3A_357 = arith.muli %add3A_243, %mul3A_356 : i32
        %add3A_358 = arith.constant 7 : i32
        %add3A_359 = arith.addi %mul3A_357, %add3A_358 : i32
        %dma_start3A_360 = arith.constant 0 : i32
        %dma_start3A_361 = arith.constant 7 : i32
        %dma_start3A_362 = arith.constant 0 : i32
        %dma_start3A_363 = arith.constant 0 : i32
        %dma_start3A_364 = tpu.memref_slice %arg6[%dma_start3A_360, %dma_start3A_361, %dma_start3A_362, %dma_start3A_363] : memref<2x8x50x128xf32, #tpu.memory_space<vmem>> -> memref<1x1x50x128xf32, #tpu.memory_space<vmem>>
        %dma_start3A_365 = tpu.memref_squeeze %dma_start3A_364 : memref<1x1x50x128xf32, #tpu.memory_space<vmem>> -> memref<50x128xf32, #tpu.memory_space<vmem>>
        %dma_start3A_366 = arith.constant 0 : i32
        %dma_start3A_367 = tpu.memref_slice %arg5[%add3A_359, %dma_start3A_366] : memref<128x50xi32, #tpu.memory_space<vmem>> -> memref<1x50xi32, #tpu.memory_space<vmem>>
        %dma_start3A_368 = tpu.memref_squeeze %dma_start3A_367 : memref<1x50xi32, #tpu.memory_space<vmem>> -> memref<50xi32, #tpu.memory_space<vmem>>
        %dma_start3A_369 = arith.constant 0 : i32
        %dma_start3A_370 = arith.constant 0 : i32
        %dma_start3A_371 = tpu.memref_slice %arg3[%dma_start3A_369, %dma_start3A_370] : memref<1000x128xf32, #tpu.memory_space<hbm>> -> memref<1000x128xf32, #tpu.memory_space<hbm>>
        tpu.enqueue_indirect_dma source(%dma_start3A_371 : memref<1000x128xf32, #tpu.memory_space<hbm>>) target(%dma_start3A_365 : memref<50x128xf32, #tpu.memory_space<vmem>>) offsets(%dma_start3A_368 : memref<50xi32, #tpu.memory_space<vmem>>) semaphore(%arg7 : memref<!tpu.dma_semaphore, #tpu.memory_space<semaphore_mem>>)
      } else {
      }
      %dma_wait3A_201 = arith.constant 1 : i32
      %dma_wait3A_202 = arith.constant 0 : i32
      %dma_wait3A_203 = arith.constant 0 : i32
      %dma_wait3A_204 = arith.constant 0 : i32
      %dma_wait3A_205 = tpu.memref_slice %arg6[%dma_wait3A_201, %dma_wait3A_202, %dma_wait3A_203, %dma_wait3A_204] : memref<2x8x50x128xf32, #tpu.memory_space<vmem>> -> memref<1x8x50x128xf32, #tpu.memory_space<vmem>>
      %dma_wait3A_206 = tpu.memref_squeeze %dma_wait3A_205 : memref<1x8x50x128xf32, #tpu.memory_space<vmem>> -> memref<8x50x128xf32, #tpu.memory_space<vmem>>
      %dma_wait3A_207 = arith.constant 0 : i32
      %dma_wait3A_208 = arith.constant 0 : i32
      %dma_wait3A_209 = tpu.memref_slice %arg4[%mul3A_2, %dma_wait3A_207, %dma_wait3A_208] : memref<4096x50x128xf32, #tpu.memory_space<hbm>> -> memref<8x50x128xf32, #tpu.memory_space<hbm>>
      %dma_wait3A_210 = arith.constant 0 : i32
      %dma_wait3A_211 = arith.constant 0 : i32
      %dma_wait3A_212 = arith.constant 0 : i32
      %dma_wait3A_213 = tpu.memref_slice %arg6[%dma_wait3A_201, %dma_wait3A_210, %dma_wait3A_211, %dma_wait3A_212] : memref<2x8x50x128xf32, #tpu.memory_space<vmem>> -> memref<1x8x50x128xf32, #tpu.memory_space<vmem>>
      %dma_wait3A_214 = tpu.memref_squeeze %dma_wait3A_213 : memref<1x8x50x128xf32, #tpu.memory_space<vmem>> -> memref<8x50x128xf32, #tpu.memory_space<vmem>>
      %dma_wait3A_215 = arith.constant 0 : i32
      %dma_wait3A_216 = arith.constant 0 : i32
      %dma_wait3A_217 = tpu.memref_slice %arg4[%mul3A_2, %dma_wait3A_215, %dma_wait3A_216] : memref<4096x50x128xf32, #tpu.memory_space<hbm>> -> memref<8x50x128xf32, #tpu.memory_space<hbm>>
      tpu.wait_dma2 semaphore(%arg8 : memref<!tpu.dma_semaphore, #tpu.memory_space<semaphore_mem>>) src(%dma_wait3A_217 : memref<8x50x128xf32, #tpu.memory_space<hbm>>) dst(%dma_wait3A_214 : memref<8x50x128xf32, #tpu.memory_space<vmem>>)
      %mul3A_218 = arith.constant 8 : i32
      %mul3A_219 = arith.muli %add3A_193, %mul3A_218 : i32
      %add3A_220 = arith.addi %mul3A_2, %mul3A_219 : i32
      %dma_start3A_221 = arith.constant 1 : i32
      %dma_start3A_222 = arith.constant 0 : i32
      %dma_start3A_223 = arith.constant 0 : i32
      %dma_start3A_224 = arith.constant 0 : i32
      %dma_start3A_225 = tpu.memref_slice %arg6[%dma_start3A_221, %dma_start3A_222, %dma_start3A_223, %dma_start3A_224] : memref<2x8x50x128xf32, #tpu.memory_space<vmem>> -> memref<1x8x50x128xf32, #tpu.memory_space<vmem>>
      %dma_start3A_226 = tpu.memref_squeeze %dma_start3A_225 : memref<1x8x50x128xf32, #tpu.memory_space<vmem>> -> memref<8x50x128xf32, #tpu.memory_space<vmem>>
      %dma_start3A_227 = arith.constant 0 : i32
      %dma_start3A_228 = arith.constant 0 : i32
      %dma_start3A_229 = tpu.memref_slice %arg4[%add3A_220, %dma_start3A_227, %dma_start3A_228] : memref<4096x50x128xf32, #tpu.memory_space<hbm>> -> memref<8x50x128xf32, #tpu.memory_space<hbm>>
      %dma_start3A_230 = arith.constant 0 : i32
      %dma_start3A_231 = arith.constant 0 : i32
      %dma_start3A_232 = tpu.memref_slice %arg4[%add3A_220, %dma_start3A_230, %dma_start3A_231] : memref<4096x50x128xf32, #tpu.memory_space<hbm>> -> memref<8x50x128xf32, #tpu.memory_space<hbm>>
      %dma_start3A_233 = arith.constant 0 : i32
      %dma_start3A_234 = arith.constant 0 : i32
      %dma_start3A_235 = arith.constant 0 : i32
      %dma_start3A_236 = tpu.memref_slice %arg6[%dma_start3A_221, %dma_start3A_233, %dma_start3A_234, %dma_start3A_235] : memref<2x8x50x128xf32, #tpu.memory_space<vmem>> -> memref<1x8x50x128xf32, #tpu.memory_space<vmem>>
      %dma_start3A_237 = tpu.memref_squeeze %dma_start3A_236 : memref<1x8x50x128xf32, #tpu.memory_space<vmem>> -> memref<8x50x128xf32, #tpu.memory_space<vmem>>
      tpu.enqueue_dma source(%dma_start3A_237 : memref<8x50x128xf32, #tpu.memory_space<vmem>>) target(%dma_start3A_232 : memref<8x50x128xf32, #tpu.memory_space<hbm>>) target_semaphore(%arg10 : memref<!tpu.dma_semaphore, #tpu.memory_space<semaphore_mem>>)
    }
    %scan3A_110 = arith.constant 8 : i32
    %dma_wait3A = arith.constant 0 : i32
    %dma_wait3A_111 = arith.constant 0 : i32
    %dma_wait3A_112 = arith.constant 0 : i32
    %dma_wait3A_113 = arith.constant 0 : i32
    %dma_wait3A_114 = tpu.memref_slice %arg6[%dma_wait3A, %dma_wait3A_111, %dma_wait3A_112, %dma_wait3A_113] : memref<2x8x50x128xf32, #tpu.memory_space<vmem>> -> memref<1x8x50x128xf32, #tpu.memory_space<vmem>>
    %dma_wait3A_115 = tpu.memref_squeeze %dma_wait3A_114 : memref<1x8x50x128xf32, #tpu.memory_space<vmem>> -> memref<8x50x128xf32, #tpu.memory_space<vmem>>
    %dma_wait3A_116 = arith.constant 0 : i32
    %dma_wait3A_117 = arith.constant 0 : i32
    %dma_wait3A_118 = tpu.memref_slice %arg4[%mul3A_2, %dma_wait3A_116, %dma_wait3A_117] : memref<4096x50x128xf32, #tpu.memory_space<hbm>> -> memref<8x50x128xf32, #tpu.memory_space<hbm>>
    %dma_wait3A_119 = arith.constant 0 : i32
    %dma_wait3A_120 = arith.constant 0 : i32
    %dma_wait3A_121 = tpu.memref_slice %arg4[%mul3A_2, %dma_wait3A_119, %dma_wait3A_120] : memref<4096x50x128xf32, #tpu.memory_space<hbm>> -> memref<8x50x128xf32, #tpu.memory_space<hbm>>
    %dma_wait3A_122 = arith.constant 0 : i32
    %dma_wait3A_123 = arith.constant 0 : i32
    %dma_wait3A_124 = arith.constant 0 : i32
    %dma_wait3A_125 = tpu.memref_slice %arg6[%dma_wait3A, %dma_wait3A_122, %dma_wait3A_123, %dma_wait3A_124] : memref<2x8x50x128xf32, #tpu.memory_space<vmem>> -> memref<1x8x50x128xf32, #tpu.memory_space<vmem>>
    %dma_wait3A_126 = tpu.memref_squeeze %dma_wait3A_125 : memref<1x8x50x128xf32, #tpu.memory_space<vmem>> -> memref<8x50x128xf32, #tpu.memory_space<vmem>>
    tpu.wait_dma2 semaphore(%arg9 : memref<!tpu.dma_semaphore, #tpu.memory_space<semaphore_mem>>) src(%dma_wait3A_126 : memref<8x50x128xf32, #tpu.memory_space<vmem>>) dst(%dma_wait3A_121 : memref<8x50x128xf32, #tpu.memory_space<hbm>>)
    %dma_wait3A_127 = arith.constant 1 : i32
    %dma_wait3A_128 = arith.constant 0 : i32
    %dma_wait3A_129 = arith.constant 0 : i32
    %dma_wait3A_130 = arith.constant 0 : i32
    %dma_wait3A_131 = tpu.memref_slice %arg6[%dma_wait3A_127, %dma_wait3A_128, %dma_wait3A_129, %dma_wait3A_130] : memref<2x8x50x128xf32, #tpu.memory_space<vmem>> -> memref<1x8x50x128xf32, #tpu.memory_space<vmem>>
    %dma_wait3A_132 = tpu.memref_squeeze %dma_wait3A_131 : memref<1x8x50x128xf32, #tpu.memory_space<vmem>> -> memref<8x50x128xf32, #tpu.memory_space<vmem>>
    %dma_wait3A_133 = arith.constant 0 : i32
    %dma_wait3A_134 = arith.constant 0 : i32
    %dma_wait3A_135 = tpu.memref_slice %arg4[%mul3A_2, %dma_wait3A_133, %dma_wait3A_134] : memref<4096x50x128xf32, #tpu.memory_space<hbm>> -> memref<8x50x128xf32, #tpu.memory_space<hbm>>
    %dma_wait3A_136 = arith.constant 0 : i32
    %dma_wait3A_137 = arith.constant 0 : i32
    %dma_wait3A_138 = tpu.memref_slice %arg4[%mul3A_2, %dma_wait3A_136, %dma_wait3A_137] : memref<4096x50x128xf32, #tpu.memory_space<hbm>> -> memref<8x50x128xf32, #tpu.memory_space<hbm>>
    %dma_wait3A_139 = arith.constant 0 : i32
    %dma_wait3A_140 = arith.constant 0 : i32
    %dma_wait3A_141 = arith.constant 0 : i32
    %dma_wait3A_142 = tpu.memref_slice %arg6[%dma_wait3A_127, %dma_wait3A_139, %dma_wait3A_140, %dma_wait3A_141] : memref<2x8x50x128xf32, #tpu.memory_space<vmem>> -> memref<1x8x50x128xf32, #tpu.memory_space<vmem>>
    %dma_wait3A_143 = tpu.memref_squeeze %dma_wait3A_142 : memref<1x8x50x128xf32, #tpu.memory_space<vmem>> -> memref<8x50x128xf32, #tpu.memory_space<vmem>>
    tpu.wait_dma2 semaphore(%arg10 : memref<!tpu.dma_semaphore, #tpu.memory_space<semaphore_mem>>) src(%dma_wait3A_143 : memref<8x50x128xf32, #tpu.memory_space<vmem>>) dst(%dma_wait3A_138 : memref<8x50x128xf32, #tpu.memory_space<hbm>>)
    return
  }
}

</mosaic_0001>

<sc_bundles>
// kernel: kernel.3.cloned.1.call-start
scs
__scs_entry_jumppad:
0x0: {  	(pc) =	sbr.rel $0x88, $3  }
0x1: {  	(tag) =	ssettag $0x0;
	lr =	simm.s32 $0x1  }
0x2: {  	[smem:$0x3F9F] =	sst lr;
	_ =	strace $0xD0000000  }
0x3: {  	_ = 	snop  }
0x4: {  	_ = 	snop  }
0x5: {  	_ = 	snop  }
0x6: {  	_ = 	snop  }
0x7: {  	_ = 	snop  }
__scs_overlays_trampoline_lowered:
0x8: {  	[smem:$0x3FAE] =	sst s0  }
0x9: {  	[smem:$0x3FAF] =	sst s1  }
0xa: {  	[smem:$0x3FB0] =	sst s2  }
0xb: {  	[smem:$0x3FB1] =	sst s3  }
0xc: {  	[smem:$0x3FB2] =	sst s4  }
0xd: {  	[smem:$0x3FB3] =	sst s5  }
0xe: {  	[smem:$0x3FB4] =	sst s6  }
0xf: {  	[smem:$0x3FB5] =	sst s7  }
0x10: {  	[smem:$0x3FB6] =	sst s8  }
0x11: {  	[smem:$0x3FB7] =	sst s9;
	s0 =	simm.s32 @!p0 $0x0  }
0x12: {  	s1 =	sld [smem:$0x3F9D];
	s0 =	simm.s32 @p0 $0x1  }
0x13: {  	[smem:$0x3FB8] =	sst s0;
	s0 =	simm.s32 @!p1 $0x0  }
0x14: {  	s2 =	sld [smem:$0x3F9C];
	s0 =	simm.s32 @p1 $0x1  }
0x15: {  	[smem:$0x3FB9] =	sst s0;
	s0 =	simm.s32 @!p2 $0x0  }
0x16: {  	s3 =	sld [smem:$0x3FDB];
	s0 =	simm.s32 @p2 $0x1  }
0x17: {  	s4 =	simm.s32 $0x1BF5;
	[smem:$0x3FBB] =	sst s0  }
0x18: {  	s0 =	sld [smem:$0x3F9E];
	_ =	swait.ge [sflag:s4], $0x0  }
0x19: {  	s7 =	sld [smem:$0x3F9F]  }
0x1a: {  	s8 =	sadd.s32 $0xFFFFE003, lr  }
0x1b: {  	s9 =	sadd.s32 $0xFFFFFEF7, lr;
	s5 =	simm.s32 $0xFFFFFFFF;
	p2 =	slt.u32 s8, $0xFFFFF086  }
0x1c: {  	p1 =	slt.u32 s9, $0xF7A;
	s5 =	simm.s32 @!p2 $0x0  }
0x1d: {  	s5 =	simm.s32 @p1 $0x1;
	p0 =	seq.s32 s7, s2  }
0x1e: {  	s7 =	smul.u32 @!p0 $0xF7A, s2;
	p2 =	seq.s32 @!p0 s5, $0x0  }
0x1f: {  	s9 =	smul.u32 $0xF7A, s1;
	s8 =	simm.s32 @!p0 $0x1BF5;
	p2 =	por !p2, p0  }
0x20: {  	[sflag:s8] =	ssyncset.s32 @!p0 $0xFFFFF086;
	s6 =	sadd.s32 @!p0 s3, s7;
	s7 =	simm.s32 @!p0 $0x108  }
0x21: {  	s3 =	sadd.s32 s3, s9;
	s6 =	sadd.s32 @!p0 $0x88, s6;
	s7 =	simm.s32 @p2 $0x1082  }
0x22: {  	[simem:s7], [sflag:s8] =	dma.local @!p0 [hbm:s6], $0xF7A  }
0x23: {  	s9 =	sor.u32 $0xD0000000, s2;
	s6 =	simm.s32 $0x108;
	_ =	swait.ge @!p0 [sflag:s8], $0x0  }
0x24: {  	s3 =	sadd.s32 $0x88, s3;
	s6 =	simm.s32 @!p1 $0x1082;
	[sflag:s4] =	ssyncset.s32 $0xFFFFF086  }
0x25: {  	[simem:s6], [sflag:s4] =	dma.local [hbm:s3], $0xF7A  }
0x26: {  	[smem:$0x3F9F] =	sst s1;
	(tag) =	ssettag s2;
	_ =	strace s9  }
0x27: {  	s1 =	sld [smem:$0x3FAF]  }
0x28: {  	s2 =	sld [smem:$0x3FB0]  }
0x29: {  	s4 =	sld [smem:$0x3FB2]  }
0x2a: {  	p0 =	seq.s32 s5, $0x0;
	s5 =	sld [smem:$0x3FB3]  }
0x2b: {  	s6 =	sld [smem:$0x3FB4]  }
0x2c: {  	s7 =	sld [smem:$0x3FB5]  }
0x2d: {  	s3 =	simm.s32 $0x108;
	s8 =	sld [smem:$0x3FB6]  }
0x2e: {  	s3 =	simm.s32 @!p0 $0x1082;
	s9 =	sld [smem:$0x3FB7]  }
0x2f: {  	lr =	sadd.s32 s0, s3;
	s0 =	sld [smem:$0x3FAE]  }
0x30: {  	s3 =	sld [smem:$0x3FB1]  }
0x31: {  	[smem:$0x3FBA] =	sst s10  }
0x32: {  	s10 =	sld [smem:$0x3FB8];
	_ =	sdelay $0x3  }
0x33: {  	p0 =	seq.s32 s10, $0x1;
	s10 =	sld [smem:$0x3FBA];
	_ =	sdelay $0x3  }
0x34: {  	[smem:$0x3FBA] =	sst s10  }
0x35: {  	s10 =	sld [smem:$0x3FB9];
	_ =	sdelay $0x3  }
0x36: {  	p1 =	seq.s32 s10, $0x1;
	s10 =	sld [smem:$0x3FBA];
	_ =	sdelay $0x3  }
0x37: {  	[smem:$0x3FBA] =	sst s10  }
0x38: {  	s10 =	sld [smem:$0x3FBB]  }
0x39: {  	_ = 	snop;
	(pc) =	sbr.ind lr, $3  }
0x3a: {  	_ = 	snop  }
0x3b: {  	_ = 	snop  }
0x3c: {  	p2 =	seq.s32 s10, $0x1;
	s10 =	sld [smem:$0x3FBA]  }
0x3d: {  	_ =	shalt  }
0x3e: {  	_ =	shalt  }
0x3f: {  	_ =	shalt  }
0x40: {  	_ =	shalt  }
0x41: {  	_ =	shalt  }
0x42: {  	_ =	shalt  }
0x43: {  	_ =	shalt  }
0x44: {  	_ =	shalt  }
0x45: {  	_ =	shalt  }
0x46: {  	_ =	shalt  }
0x47: {  	_ =	shalt  }
0x48: {  	_ =	shalt  }
0x49: {  	_ =	shalt  }
0x4a: {  	_ =	shalt  }
0x4b: {  	_ =	shalt  }
0x4c: {  	_ =	shalt  }
0x4d: {  	_ =	shalt  }
0x4e: {  	_ =	shalt  }
0x4f: {  	_ =	shalt  }
0x50: {  	_ =	shalt  }
0x51: {  	_ =	shalt  }
0x52: {  	_ =	shalt  }
0x53: {  	_ =	shalt  }
0x54: {  	_ =	shalt  }
0x55: {  	_ =	shalt  }
0x56: {  	_ =	shalt  }
0x57: {  	_ =	shalt  }
0x58: {  	_ =	shalt  }
0x59: {  	_ =	shalt  }
0x5a: {  	_ =	shalt  }
0x5b: {  	_ =	shalt  }
0x5c: {  	_ =	shalt  }
0x5d: {  	_ =	shalt  }
0x5e: {  	_ =	shalt  }
0x5f: {  	_ =	shalt  }
0x60: {  	_ =	shalt  }
0x61: {  	_ =	shalt  }
0x62: {  	_ =	shalt  }
0x63: {  	_ =	shalt  }
0x64: {  	_ =	shalt  }
0x65: {  	_ =	shalt  }
0x66: {  	_ =	shalt  }
0x67: {  	_ =	shalt  }
0x68: {  	_ =	shalt  }
0x69: {  	_ =	shalt  }
0x6a: {  	_ =	shalt  }
0x6b: {  	_ =	shalt  }
0x6c: {  	_ =	shalt  }
0x6d: {  	_ =	shalt  }
0x6e: {  	_ =	shalt  }
0x6f: {  	_ =	shalt  }
0x70: {  	_ =	shalt  }
0x71: {  	_ =	shalt  }
0x72: {  	_ =	shalt  }
0x73: {  	_ =	shalt  }
0x74: {  	_ =	shalt  }
0x75: {  	_ =	shalt  }
0x76: {  	_ =	shalt  }
0x77: {  	_ =	shalt  }
0x78: {  	_ =	shalt  }
0x79: {  	_ =	shalt  }
0x7a: {  	_ =	shalt  }
0x7b: {  	_ =	shalt  }
0x7c: {  	_ =	shalt  }
0x7d: {  	_ =	shalt  }
0x7e: {  	_ =	shalt  }
0x7f: {  	_ =	shalt  }
0x80: {  	_ =	shalt  }
0x81: {  	_ =	shalt  }
0x82: {  	_ =	shalt  }
0x83: {  	_ =	shalt  }
0x84: {  	_ =	shalt  }
0x85: {  	_ =	shalt  }
0x86: {  	_ =	shalt  }
0x87: {  	_ =	shalt  }
.Lfunc_end0:
.L_simem_size_0:
called_computation_lowered:
.L_overlay_start_0:
0x88: {  	s2 =	sld [smem:$0x3FD9]  }
0x89: {  	s3 =	sld [smem:$0x3FFE];
	_ =	sdelay $0x1  }
0x8a: {  	s1 =	srdreg.scid  }
0x8b: {  	s0 =	sand.u32 $0x1, s1  }
0x8c: {  	s17 =	sshll.u32 s0, $0xA;
	s2 =	sadd.s32 s3, s2  }
0x8d: {  	s2 =	sadd.s32 s2, s17  }
0x8e: {  	[smem:$0x3FC6] =	sst s2  }
0x8f: {  	_ = 	snop  }
0x90: {  	s2 =	sld [smem:$0x3FC8]  }
0x91: {  	s18 =	sld [smem:$0x3FD0];
	(tm) =	ssettm $0x1  }
0x92: {  	s4 =	sld [smem:$0x3FFB];
	_ =	sdelay $0x3  }
0x93: {  	_ =	strace s4  }
0x94: {  	s4 =	sld [smem:$0x3FFC];
	_ =	sdelay $0x3  }
0x95: {  	_ =	strace s4  }
0x96: {  	s4 =	sld [smem:$0x3FFD];
	_ =	sdelay $0x3  }
0x97: {  	_ =	strace s4  }
0x98: {  	_ =	strace $0x8FFFFFFF  }
0x99: {  	s19 =	sld [smem:$0x3FDB];
	_ =	sdelay $0x1  }
0x9a: {  	s5 =	simm.s32 $_scs_section_size  }
0x9b: {  	s6 =	simm.s32 $_size__tile_overlayer_lowered;
	s7 =	simm.s32 $_tile_overlayer_lowered  }
0x9c: {  	s22 =	simm.s32 $0x1BFF;
	s21 =	sshll.u32 s7, $0x1;
	s4 =	sadd.s32 s5, s19  }
0x9d: {  	s8 =	simm.s32 $0x0;
	s20 =	sshll.u32 s6, $0x1;
	s6 =	sadd.s32 s21, s4  }
0x9e: {  	[timem:s8], [sflag:s22] =	dma.local [hbm:s6], s20  }
0x9f: {  	_ =	swait.ge [sflag:s22], s20  }
0xa0: {  	s5 =	ssub.s32 $0x0, s20;
	[sflag:s22] =	ssyncset.done $0x0  }
0xa1: {  	[sflag:s22] =	ssyncadd.s32 s5;
	_ =	sdelay $0x1  }
0xa2: {  	s23 =	simm.s32 $0x1B8B  }
0xa3: {  	_ =	swait.ge [sflag:s23], $0x1  }
0xa4: {  	[sflag:s23] =	ssyncset.done $0x0  }
0xa5: {  	s25 =	simm.s32 $0x1B8E;
	s24 =	sld [smem:$0x3FFE];
	[sflag:s23] =	ssyncadd.s32 $0xFFFFFFFF  }
0xa6: {  	s26 =	simm.s32 $execute0_lowered;
	[smem:$0x3FD2] =	sst s25  }
0xa7: {  	s6 =	sshll.u32 s26, $0x1;
	_ =	strace $0x80000046;
	[dreg:$0x1] =	wrdreg $0xFFFFFFFF  }
0xa8: {  	s28 =	simm.s32 $_size_execute0_lowered;
	s4 =	sadd.s32 s4, s6;
	[dreg:$0x0] =	wrdreg $0x0  }
0xa9: {  	s6 =	sshll.u32 s28, $0x1;
	[dreg:$0x2] =	wrdreg s4  }
0xaa: {  	[dreg:$0x3] =	wrdreg s6  }
0xab: {  	[dreg:$0x4] =	wrdreg $0xC0  }
0xac: {  	_ =	task [dreg:s8], $0x5FFFF  }
0xad: {  	[dreg:$0x1] =	wrdreg $0xFFFFFFFF  }
0xae: {  	[dreg:$0x0] =	wrdreg $0x60  }
0xaf: {  	[dreg:$0x2] =	wrdreg s18  }
0xb0: {  	[dreg:$0x3] =	wrdreg s2  }
0xb1: {  	[dreg:$0x4] =	wrdreg s24  }
0xb2: {  	[dreg:$0x5] =	wrdreg $0x9  }
0xb3: {  	_ =	task.clear_ibuf [dreg:s8], $0x6FFFF;
	_ =	strace $0x90000046  }
0xb4: {  	s29 =	simm.s32 $0x9;
	_ =	strace $0x80000048  }
0xb5: {  	_ =	swait.ge [sflag:s29], $0x1  }
0xb6: {  	[sflag:s29] =	ssyncadd.s32 $0xFFFFFFFF  }
0xb7: {  	_ =	strace $0x90000048  }
0xb8: {  	_ =	sfence  }
0xb9: {  	s30 =	sld [smem:$0x0];
	_ =	sdelay $0x2  }
0xba: {  	s31 =	sshll.u32 s1, $0xD;
	s1 =	sshrl.u32 s1, $0x2  }
0xbb: {  	s3 =	sand.u32 $0x4000, s31;
	s1 =	sadd.s32 s1, s30  }
0xbc: {  	s0 =	sor.u32 s3, s0;
	s1 =	sshll.u32 s1, $0x11  }
0xbd: {  	s0 =	sor.u32 s1, s0  }
0xbe: {  	s0 =	sadd.s32 $0x8F2B, s0  }
0xbf: {  	[sflag:s0] =	ssyncadd.remote.s32 $0x1  }
0xc0: {  	_ =	sfence.sel $0xFFFF  }
0xc1: {  	[dreg:$0x0] =	wrdreg $0xFFFFFFFF;
	(pc) =	sbr.abs _section_cstart, $3  }
0xc2: {  	[dreg:$0x1] =	wrdreg $0xFFFFFFFF  }
0xc3: {  	_ =	task.clear_ibuf [dreg:s8], $0x2FFFF;
	_ =	strace $0x9FFFFFFF  }
0xc4: {  	(tm) =	ssettm $0x7FFFFFFF  }
0xc5: {  	_ =	shalt  }
tec
execute0_lowered:
.L_overlay_start_1:
0x0: {  	(tag) =	ssettag $0x1  }
0x1: {  	s0 =	rddreg [dreg:$0x0]  }
0x2: {  	s1 =	rddreg [dreg:$0x1]  }
0x3: {  	s2 =	rddreg [dreg:$0x2];
	s3 =	simm.s32 $0x0  }
0x4: {  	s8 =	stileid.u32;
	s5 =	srdreg.scid;
	s28 =	simm.s32 $0x17400  }
0x5: {  	s29 =	simm.s32 $0x19000;
	s30 =	simm.s32 $0x1AC00;
	s31 =	simm.s32 $0x1C800  }
0x6: {  	s10 =	simm.s32 $0x2;
	s13 =	simm.s32 $0x4000;
	s15 =	simm.s32 $0x5C00  }
0x7: {  	s17 =	simm.s32 $0x7800;
	s19 =	simm.s32 $0x9400;
	s21 =	simm.s32 $0xB000  }
0x8: {  	s23 =	simm.s32 $0xCC00;
	[smem:$0x7FF] =	sst s3;
	s4 =	smul.u32 $0x38000, s8  }
0x9: {  	s5 =	sand.u32 $0x1, s5;
	s8 =	sshll.u32 s8, $0xC;
	_ =	strace $0x80000047  }
0xa: {  	s24 =	ssub.s32 $0x2, s5;
	s6 =	smul.u32 $0x1C000, s5;
	s5 =	sshll.u32 s5, $0xB  }
0xb: {  	s2 =	sadd.s32 s4, s2;
	s7 =	sshrl.u32 s24, $0x1;
	s5 =	sor.u32 s5, s8  }
0xc: {  	s8 =	simm.s32 $0x32;
	s4 =	ssub.s32 s24, s7;
	s2 =	sadd.s32 s6, s2  }
0xd: {  	s0 =	sadd.s32 s0, s5;
	s24 =	simm.s32 $0x12000;
	s6 =	simm.s32 $0x0  }
0xe: {  	[dreg:$0x4] =	wrdreg s0;
	s25 =	smax.u32 s4, $0x1;
	s26 =	sadd.s32 $0x400, s2  }
0xf: {  	s0 =	simm.s32 $0x1E400;
	s2 =	simm.s32 $0x1;
	[dreg:$0x5] =	wrdreg s25  }
0x10: {  	[dreg:$0x6] =	wrdreg s26;
	s25 =	simm.s32 $0x13C00;
	s26 =	simm.s32 $0x15800  }
.LBB2_1:
0x11: {  	[dreg:$0x7] =	wrdreg s6  }
0x12: {  	s4 =	rddreg [dreg:$0x4];
	s11 =	simm.s32 $0x5  }
0x13: {  	[tilespmem:s3], [sflag:$0x5] =	stream.linear.gather [hbm4b:s4+s3], $0x4000, $0x38;
	v63 =	vld [tilespmem:$0x0]  }
0x14: {  	_ =	swait.ge [sflag:s11], $0x4000  }
0x15: {  	[sflag:s11] =	ssyncset.done $0x0  }
0x16: {  	s5 =	simm.s32 $0x4000;
	[sflag:s11] =	ssyncadd.s32 $0xFFFFC000  }
0x17: {  	[tilespmem:s5], [sflag:$0x1] =	stream.indirect.gather [hbm4b:s1+s8], $0x80, s3, s8, $0xb8;
	v63 =	vld [tilespmem:$0x0]  }
0x18: {  	s12 =	simm.s32 $0x80;
	s7 =	simm.s32 $0x5C00  }
0x19: {  	[tilespmem:s7], [sflag:$0x1] =	stream.indirect.gather [hbm4b:s1+s8], $0x80, s12, s8, $0xb8;
	v63 =	vld [tilespmem:$0x0]  }
0x1a: {  	s14 =	simm.s32 $0x100;
	s9 =	simm.s32 $0x7800  }
0x1b: {  	[tilespmem:s9], [sflag:$0x1] =	stream.indirect.gather [hbm4b:s1+s8], $0x80, s14, s8, $0xb8;
	v63 =	vld [tilespmem:$0x0]  }
0x1c: {  	s16 =	simm.s32 $0x180;
	s11 =	simm.s32 $0x9400  }
0x1d: {  	[tilespmem:s11], [sflag:$0x1] =	stream.indirect.gather [hbm4b:s1+s8], $0x80, s16, s8, $0xb8;
	v63 =	vld [tilespmem:$0x0]  }
0x1e: {  	s18 =	simm.s32 $0x200;
	s12 =	simm.s32 $0xB000  }
0x1f: {  	[tilespmem:s12], [sflag:$0x1] =	stream.indirect.gather [hbm4b:s1+s8], $0x80, s18, s8, $0xb8;
	v63 =	vld [tilespmem:$0x0]  }
0x20: {  	s20 =	simm.s32 $0x280;
	p0 =	por $0x1, $0x1;
	s14 =	simm.s32 $0xCC00  }
0x21: {  	[tilespmem:s14], [sflag:$0x1] =	stream.indirect.gather [hbm4b:s1+s8], $0x80, s20, s8, $0xb8;
	v63 =	vld [tilespmem:$0x0]  }
0x22: {  	s22 =	simm.s32 $0x300;
	p0 =	por p0, p0;
	s16 =	simm.s32 $0xE800  }
0x23: {  	[tilespmem:s16], [sflag:$0x1] =	stream.indirect.gather [hbm4b:s1+s8], $0x80, s22, s8, $0xb8;
	v63 =	vld [tilespmem:$0x0]  }
0x24: {  	s6 =	simm.s32 $0x380;
	s4 =	simm.s32 @!p0 $0x4;
	s18 =	simm.s32 $0x10400  }
0x25: {  	[tilespmem:s18], [sflag:$0x1] =	stream.indirect.gather [hbm4b:s1+s8], $0x80, s6, s8, $0xb8;
	v63 =	vld [tilespmem:$0x0]  }
0x26: {  	_ =	swait.ge @!p0 [sflag:s4], $0xC800  }
0x27: {  	[sflag:s4] =	ssyncset.done @!p0 $0x0  }
0x28: {  	s20 =	simm.s32 $0x400;
	[sflag:s4] =	ssyncadd.s32 @!p0 $0xFFFF3800  }
0x29: {  	[tilespmem:s24], [sflag:$0x2] =	stream.indirect.gather [hbm4b:s1+s8], $0x80, s20, s8, $0xb8;
	v63 =	vld [tilespmem:$0x0]  }
0x2a: {  	s22 =	simm.s32 $0x480  }
0x2b: {  	[tilespmem:s25], [sflag:$0x2] =	stream.indirect.gather [hbm4b:s1+s8], $0x80, s22, s8, $0xb8;
	v63 =	vld [tilespmem:$0x0]  }
0x2c: {  	s6 =	simm.s32 $0x500  }
0x2d: {  	[tilespmem:s26], [sflag:$0x2] =	stream.indirect.gather [hbm4b:s1+s8], $0x80, s6, s8, $0xb8;
	v63 =	vld [tilespmem:$0x0]  }
0x2e: {  	s20 =	simm.s32 $0x580  }
0x2f: {  	[tilespmem:s28], [sflag:$0x2] =	stream.indirect.gather [hbm4b:s1+s8], $0x80, s20, s8, $0xb8;
	v63 =	vld [tilespmem:$0x0]  }
0x30: {  	s22 =	simm.s32 $0x600  }
0x31: {  	[tilespmem:s29], [sflag:$0x2] =	stream.indirect.gather [hbm4b:s1+s8], $0x80, s22, s8, $0xb8;
	v63 =	vld [tilespmem:$0x0]  }
0x32: {  	s6 =	simm.s32 $0x680  }
0x33: {  	[tilespmem:s30], [sflag:$0x2] =	stream.indirect.gather [hbm4b:s1+s8], $0x80, s6, s8, $0xb8;
	v63 =	vld [tilespmem:$0x0]  }
0x34: {  	s20 =	simm.s32 $0x700  }
0x35: {  	[tilespmem:s31], [sflag:$0x2] =	stream.indirect.gather [hbm4b:s1+s8], $0x80, s20, s8, $0xb8;
	v63 =	vld [tilespmem:$0x0]  }
0x36: {  	s22 =	simm.s32 $0x780  }
0x37: {  	[tilespmem:s0], [sflag:$0x2] =	stream.indirect.gather [hbm4b:s1+s8], $0x80, s22, s8, $0xb8;
	v63 =	vld [tilespmem:$0x0]  }
0x38: {  	_ =	swait.ge [sflag:s2], $0xC800  }
0x39: {  	[sflag:s2] =	ssyncset.done $0x0  }
0x3a: {  	s6 =	rddreg [dreg:$0x6];
	[sflag:s2] =	ssyncadd.s32 $0xFFFF3800  }
0x3b: {  	[hbm4b:s6+s3] =	stream.linear.scatter [tilespmem:s5], [sflag:$0x3], $0x1900, $0x38;
	v63 =	vld [tilespmem:$0x0]  }
0x3c: {  	s5 =	sadd.s32 $0x380, s6  }
0x3d: {  	[hbm4b:s5+s3] =	stream.linear.scatter [tilespmem:s7], [sflag:$0x3], $0x1900, $0x38;
	v63 =	vld [tilespmem:$0x0]  }
0x3e: {  	s7 =	sadd.s32 $0x700, s6  }
0x3f: {  	[hbm4b:s7+s3] =	stream.linear.scatter [tilespmem:s9], [sflag:$0x3], $0x1900, $0x38;
	v63 =	vld [tilespmem:$0x0]  }
0x40: {  	s20 =	sadd.s32 $0xA80, s6  }
0x41: {  	[hbm4b:s20+s3] =	stream.linear.scatter [tilespmem:s11], [sflag:$0x3], $0x1900, $0x38;
	v63 =	vld [tilespmem:$0x0]  }
0x42: {  	s22 =	sadd.s32 $0xE00, s6  }
0x43: {  	[hbm4b:s22+s3] =	stream.linear.scatter [tilespmem:s12], [sflag:$0x3], $0x1900, $0x38;
	v63 =	vld [tilespmem:$0x0]  }
0x44: {  	s5 =	sadd.s32 $0x1180, s6  }
0x45: {  	[hbm4b:s5+s3] =	stream.linear.scatter [tilespmem:s14], [sflag:$0x3], $0x1900, $0x38;
	v63 =	vld [tilespmem:$0x0]  }
0x46: {  	p0 =	por $0x0, $0x0;
	s7 =	sadd.s32 $0x1500, s6  }
0x47: {  	[hbm4b:s7+s3] =	stream.linear.scatter [tilespmem:s16], [sflag:$0x3], $0x1900, $0x38;
	v63 =	vld [tilespmem:$0x0]  }
0x48: {  	s4 =	simm.s32 @!p0 $0x3;
	s9 =	sadd.s32 $0x1880, s6  }
0x49: {  	[hbm4b:s9+s3] =	stream.linear.scatter [tilespmem:s18], [sflag:$0x3], $0x1900, $0x38;
	v63 =	vld [tilespmem:$0x0]  }
0x4a: {  	_ =	swait.ge @!p0 [sflag:s4], $0xC800  }
0x4b: {  	s20 =	simm.s32 @!p0 $0x4000;
	[sflag:s4] =	ssyncset.done @!p0 $0x0  }
0x4c: {  	s5 =	simm.s32 @!p0 $0x800;
	s18 =	simm.s32 @!p0 $0x32;
	[sflag:s4] =	ssyncadd.s32 @!p0 $0xFFFF3800  }
0x4d: {  	[tilespmem:s20], [sflag:$0x1] =	stream.indirect.gather @!p0 [hbm4b:s1+s18], $0x80, s5, s18, $0xb8;
	v63 =	vld [tilespmem:$0x0]  }
0x4e: {  	s4 =	simm.s32 @!p0 $0x880;
	s5 =	simm.s32 @!p0 $0x5C00  }
0x4f: {  	[tilespmem:s5], [sflag:$0x1] =	stream.indirect.gather @!p0 [hbm4b:s1+s18], $0x80, s4, s18, $0xb8;
	v63 =	vld [tilespmem:$0x0]  }
0x50: {  	s4 =	simm.s32 @!p0 $0x900;
	s5 =	simm.s32 @!p0 $0x7800  }
0x51: {  	[tilespmem:s5], [sflag:$0x1] =	stream.indirect.gather @!p0 [hbm4b:s1+s18], $0x80, s4, s18, $0xb8;
	v63 =	vld [tilespmem:$0x0]  }
0x52: {  	s4 =	simm.s32 @!p0 $0x980;
	s5 =	simm.s32 @!p0 $0x9400  }
0x53: {  	[tilespmem:s5], [sflag:$0x1] =	stream.indirect.gather @!p0 [hbm4b:s1+s18], $0x80, s4, s18, $0xb8;
	v63 =	vld [tilespmem:$0x0]  }
0x54: {  	s4 =	simm.s32 @!p0 $0xA00;
	s5 =	simm.s32 @!p0 $0xB000  }
0x55: {  	[tilespmem:s5], [sflag:$0x1] =	stream.indirect.gather @!p0 [hbm4b:s1+s18], $0x80, s4, s18, $0xb8;
	v63 =	vld [tilespmem:$0x0]  }
0x56: {  	s4 =	simm.s32 @!p0 $0xA80;
	s5 =	simm.s32 @!p0 $0xCC00  }
0x57: {  	[tilespmem:s5], [sflag:$0x1] =	stream.indirect.gather @!p0 [hbm4b:s1+s18], $0x80, s4, s18, $0xb8;
	v63 =	vld [tilespmem:$0x0]  }
0x58: {  	s4 =	simm.s32 @!p0 $0xB00;
	s5 =	simm.s32 @!p0 $0xE800  }
0x59: {  	[tilespmem:s5], [sflag:$0x1] =	stream.indirect.gather @!p0 [hbm4b:s1+s18], $0x80, s4, s18, $0xb8;
	v63 =	vld [tilespmem:$0x0]  }
0x5a: {  	s4 =	simm.s32 @!p0 $0xB80;
	s5 =	simm.s32 @!p0 $0x10400  }
0x5b: {  	[tilespmem:s5], [sflag:$0x1] =	stream.indirect.gather @!p0 [hbm4b:s1+s18], $0x80, s4, s18, $0xb8;
	v63 =	vld [tilespmem:$0x0]  }
0x5c: {  	_ =	swait.ge [sflag:s10], $0xC800  }
0x5d: {  	[sflag:s10] =	ssyncset.done $0x0  }
0x5e: {  	s11 =	sadd.s32 $0x1C00, s6;
	[sflag:s10] =	ssyncadd.s32 $0xFFFF3800  }
0x5f: {  	[hbm4b:s11+s3] =	stream.linear.scatter [tilespmem:s24], [sflag:$0x4], $0x1900, $0x38;
	v63 =	vld [tilespmem:$0x0]  }
0x60: {  	s12 =	sadd.s32 $0x1F80, s6  }
0x61: {  	[hbm4b:s12+s3] =	stream.linear.scatter [tilespmem:s25], [sflag:$0x4], $0x1900, $0x38;
	v63 =	vld [tilespmem:$0x0]  }
0x62: {  	s14 =	sadd.s32 $0x2300, s6  }
0x63: {  	[hbm4b:s14+s3] =	stream.linear.scatter [tilespmem:s26], [sflag:$0x4], $0x1900, $0x38;
	v63 =	vld [tilespmem:$0x0]  }
0x64: {  	s16 =	sadd.s32 $0x2680, s6  }
0x65: {  	[hbm4b:s16+s3] =	stream.linear.scatter [tilespmem:s28], [sflag:$0x4], $0x1900, $0x38;
	v63 =	vld [tilespmem:$0x0]  }
0x66: {  	s18 =	sadd.s32 $0x2A00, s6  }
0x67: {  	[hbm4b:s18+s3] =	stream.linear.scatter [tilespmem:s29], [sflag:$0x4], $0x1900, $0x38;
	v63 =	vld [tilespmem:$0x0]  }
0x68: {  	p6 =	por $0x0, $0x0;
	s20 =	sadd.s32 $0x2D80, s6  }
0x69: {  	[hbm4b:s20+s3] =	stream.linear.scatter [tilespmem:s30], [sflag:$0x4], $0x1900, $0x38;
	v63 =	vld [tilespmem:$0x0]  }
0x6a: {  	s22 =	sadd.s32 $0x3100, s6;
	p0 =	por p6, p6;
	s5 =	sadd.s32 $0x3480, s6  }
0x6b: {  	[hbm4b:s22+s3] =	stream.linear.scatter [tilespmem:s31], [sflag:$0x4], $0x1900, $0x38;
	v63 =	vld [tilespmem:$0x0]  }
0x6c: {  	s18 =	sadd.s32 $0x3800, s6;
	s20 =	simm.s32 $0x2000;
	s22 =	simm.s32 $0x4000  }
.LBB2_2:
0x6d: {  	p2 =	seq.s32 s22, $0x0  }
0x6e: {  	s7 =	simm.s32 @!p0 $0x4;
	s4 =	smov.u32 s22;
	s22 =	sadd.s32 $0x2000, s22  }
0x6f: {  	[hbm4b:s5+s3] =	stream.linear.scatter [tilespmem:s0], [sflag:$0x4], $0x1900, $0x38;
	v63 =	vld [tilespmem:$0x0]  }
0x70: {  	p1 =	sne.s32 s22, $0x10000;
	_ =	swait.ge @!p0 [sflag:s7], $0xC800  }
0x71: {  	s5 =	sshra.s32 s20, $0x2;
	[sflag:s7] =	ssyncset.done @!p0 $0x0  }
0x72: {  	[sflag:s7] =	ssyncadd.s32 @!p0 $0xFFFF3800;
	s7 =	sadd.s32 $0x400, s5;
	p0 =	por p2, p2  }
0x73: {  	[tilespmem:s24], [sflag:$0x2] =	stream.indirect.gather [hbm4b:s1+s8], $0x80, s7, s8, $0xb8;
	v63 =	vld [tilespmem:$0x0]  }
0x74: {  	s7 =	sadd.s32 $0x480, s5  }
0x75: {  	[tilespmem:s25], [sflag:$0x2] =	stream.indirect.gather [hbm4b:s1+s8], $0x80, s7, s8, $0xb8;
	v63 =	vld [tilespmem:$0x0]  }
0x76: {  	s7 =	sadd.s32 $0x500, s5  }
0x77: {  	[tilespmem:s26], [sflag:$0x2] =	stream.indirect.gather [hbm4b:s1+s8], $0x80, s7, s8, $0xb8;
	v63 =	vld [tilespmem:$0x0]  }
0x78: {  	s7 =	sadd.s32 $0x580, s5  }
0x79: {  	[tilespmem:s28], [sflag:$0x2] =	stream.indirect.gather [hbm4b:s1+s8], $0x80, s7, s8, $0xb8;
	v63 =	vld [tilespmem:$0x0]  }
0x7a: {  	s7 =	sadd.s32 $0x600, s5  }
0x7b: {  	[tilespmem:s29], [sflag:$0x2] =	stream.indirect.gather [hbm4b:s1+s8], $0x80, s7, s8, $0xb8;
	v63 =	vld [tilespmem:$0x0]  }
0x7c: {  	s7 =	sadd.s32 $0x680, s5  }
0x7d: {  	[tilespmem:s30], [sflag:$0x2] =	stream.indirect.gather [hbm4b:s1+s8], $0x80, s7, s8, $0xb8;
	v63 =	vld [tilespmem:$0x0]  }
0x7e: {  	s7 =	sadd.s32 $0x700, s5  }
0x7f: {  	[tilespmem:s31], [sflag:$0x2] =	stream.indirect.gather [hbm4b:s1+s8], $0x80, s7, s8, $0xb8;
	v63 =	vld [tilespmem:$0x0]  }
0x80: {  	s5 =	sadd.s32 $0x780, s5  }
0x81: {  	[tilespmem:s0], [sflag:$0x2] =	stream.indirect.gather [hbm4b:s1+s8], $0x80, s5, s8, $0xb8;
	v63 =	vld [tilespmem:$0x0]  }
0x82: {  	_ =	swait.ge [sflag:s2], $0xC800  }
0x83: {  	[sflag:s2] =	ssyncset.done $0x0  }
0x84: {  	[sflag:s2] =	ssyncadd.s32 $0xFFFF3800  }
0x85: {  	[hbm4b:s18+s3] =	stream.linear.scatter [tilespmem:s13], [sflag:$0x3], $0x1900, $0x38;
	v63 =	vld [tilespmem:$0x0]  }
0x86: {  	s5 =	sadd.s32 $0x380, s18  }
0x87: {  	[hbm4b:s5+s3] =	stream.linear.scatter [tilespmem:s15], [sflag:$0x3], $0x1900, $0x38;
	v63 =	vld [tilespmem:$0x0]  }
0x88: {  	s5 =	sadd.s32 $0x700, s18  }
0x89: {  	[hbm4b:s5+s3] =	stream.linear.scatter [tilespmem:s17], [sflag:$0x3], $0x1900, $0x38;
	v63 =	vld [tilespmem:$0x0]  }
0x8a: {  	s5 =	sadd.s32 $0xA80, s18  }
0x8b: {  	[hbm4b:s5+s3] =	stream.linear.scatter [tilespmem:s19], [sflag:$0x3], $0x1900, $0x38;
	v63 =	vld [tilespmem:$0x0]  }
0x8c: {  	s5 =	sadd.s32 $0xE00, s18  }
0x8d: {  	[hbm4b:s5+s3] =	stream.linear.scatter [tilespmem:s21], [sflag:$0x3], $0x1900, $0x38;
	v63 =	vld [tilespmem:$0x0]  }
0x8e: {  	s5 =	sadd.s32 $0x1180, s18  }
0x8f: {  	[hbm4b:s5+s3] =	stream.linear.scatter [tilespmem:s23], [sflag:$0x3], $0x1900, $0x38;
	v63 =	vld [tilespmem:$0x0]  }
0x90: {  	s6 =	simm.s32 $0xE800;
	s5 =	sadd.s32 $0x1500, s18  }
0x91: {  	[hbm4b:s5+s3] =	stream.linear.scatter [tilespmem:s6], [sflag:$0x3], $0x1900, $0x38;
	v63 =	vld [tilespmem:$0x0]  }
0x92: {  	p2 =	seq.s32 s20, $0xE000;
	s5 =	sadd.s32 $0x1880, s18;
	s6 =	simm.s32 $0x10400  }
0x93: {  	[hbm4b:s5+s3] =	stream.linear.scatter [tilespmem:s6], [sflag:$0x3], $0x1900, $0x38;
	v63 =	vld [tilespmem:$0x0]  }
0x94: {  	s7 =	sshra.s32 @!p2 s20, $0x2;
	s20 =	smov.u32 s4;
	s5 =	simm.s32 @!p2 $0x3  }
0x95: {  	s4 =	sadd.s32 @!p2 $0x800, s7;
	s12 =	sadd.s32 @!p2 $0x880, s7;
	_ =	swait.ge @!p2 [sflag:s5], $0xC800  }
0x96: {  	s14 =	simm.s32 @!p2 $0x32;
	s16 =	simm.s32 @!p2 $0x4000;
	[sflag:s5] =	ssyncset.done @!p2 $0x0  }
0x97: {  	s6 =	sadd.s32 @!p2 $0x900, s7;
	[sflag:s5] =	ssyncadd.s32 @!p2 $0xFFFF3800;
	s5 =	simm.s32 @!p2 $0x5C00  }
0x98: {  	[tilespmem:s16], [sflag:$0x1] =	stream.indirect.gather @!p2 [hbm4b:s1+s14], $0x80, s4, s14, $0xb8;
	v63 =	vld [tilespmem:$0x0]  }
0x99: {  	s9 =	sadd.s32 @!p2 $0xA00, s7;
	s4 =	simm.s32 @!p2 $0x7800;
	s16 =	sadd.s32 @!p2 $0x980, s7  }
0x9a: {  	[tilespmem:s5], [sflag:$0x1] =	stream.indirect.gather @!p2 [hbm4b:s1+s14], $0x80, s12, s14, $0xb8;
	v63 =	vld [tilespmem:$0x0]  }
0x9b: {  	s11 =	sadd.s32 @!p2 $0xB00, s7;
	s5 =	simm.s32 @!p2 $0x9400;
	s12 =	sadd.s32 @!p2 $0xA80, s7  }
0x9c: {  	[tilespmem:s4], [sflag:$0x1] =	stream.indirect.gather @!p2 [hbm4b:s1+s14], $0x80, s6, s14, $0xb8;
	v63 =	vld [tilespmem:$0x0]  }
0x9d: {  	s4 =	simm.s32 @!p2 $0xB000;
	s6 =	sadd.s32 @!p2 $0xB80, s7  }
0x9e: {  	[tilespmem:s5], [sflag:$0x1] =	stream.indirect.gather @!p2 [hbm4b:s1+s14], $0x80, s16, s14, $0xb8;
	v63 =	vld [tilespmem:$0x0]  }
0x9f: {  	s5 =	simm.s32 @!p2 $0xCC00  }
0xa0: {  	[tilespmem:s4], [sflag:$0x1] =	stream.indirect.gather @!p2 [hbm4b:s1+s14], $0x80, s9, s14, $0xb8;
	v63 =	vld [tilespmem:$0x0]  }
0xa1: {  	s4 =	simm.s32 @!p2 $0xE800  }
0xa2: {  	[tilespmem:s5], [sflag:$0x1] =	stream.indirect.gather @!p2 [hbm4b:s1+s14], $0x80, s12, s14, $0xb8;
	v63 =	vld [tilespmem:$0x0]  }
0xa3: {  	s5 =	simm.s32 @!p2 $0x10400  }
0xa4: {  	[tilespmem:s4], [sflag:$0x1] =	stream.indirect.gather @!p2 [hbm4b:s1+s14], $0x80, s11, s14, $0xb8;
	v63 =	vld [tilespmem:$0x0]  }
0xa5: {  	_ = 	snop  }
0xa6: {  	[tilespmem:s5], [sflag:$0x1] =	stream.indirect.gather @!p2 [hbm4b:s1+s14], $0x80, s6, s14, $0xb8;
	v63 =	vld [tilespmem:$0x0]  }
0xa7: {  	_ =	swait.ge [sflag:s10], $0xC800  }
0xa8: {  	s4 =	sadd.s32 $0x1C00, s18;
	[sflag:s10] =	ssyncset.done $0x0  }
0xa9: {  	s5 =	sadd.s32 $0x1F80, s18;
	[sflag:s10] =	ssyncadd.s32 $0xFFFF3800  }
0xaa: {  	[hbm4b:s4+s3] =	stream.linear.scatter [tilespmem:s24], [sflag:$0x4], $0x1900, $0x38;
	v63 =	vld [tilespmem:$0x0]  }
0xab: {  	s4 =	sadd.s32 $0x2300, s18  }
0xac: {  	[hbm4b:s5+s3] =	stream.linear.scatter [tilespmem:s25], [sflag:$0x4], $0x1900, $0x38;
	v63 =	vld [tilespmem:$0x0]  }
0xad: {  	s5 =	sadd.s32 $0x2680, s18  }
0xae: {  	[hbm4b:s4+s3] =	stream.linear.scatter [tilespmem:s26], [sflag:$0x4], $0x1900, $0x38;
	v63 =	vld [tilespmem:$0x0]  }
0xaf: {  	s4 =	sadd.s32 $0x2A00, s18  }
0xb0: {  	[hbm4b:s5+s3] =	stream.linear.scatter [tilespmem:s28], [sflag:$0x4], $0x1900, $0x38;
	v63 =	vld [tilespmem:$0x0]  }
0xb1: {  	s5 =	sadd.s32 $0x2D80, s18  }
0xb2: {  	[hbm4b:s4+s3] =	stream.linear.scatter [tilespmem:s29], [sflag:$0x4], $0x1900, $0x38;
	v63 =	vld [tilespmem:$0x0]  }
.Ltmp0:
0xb3: {  	_ = 	snop;
	(pc) =	sbr.rel @p1 .LBB2_2-.Ltmp0, $4  }
0xb4: {  	s4 =	sadd.s32 $0x3100, s18  }
0xb5: {  	[hbm4b:s5+s3] =	stream.linear.scatter [tilespmem:s30], [sflag:$0x4], $0x1900, $0x38;
	v63 =	vld [tilespmem:$0x0]  }
0xb6: {  	s5 =	sadd.s32 $0x3480, s18;
	s18 =	sadd.s32 $0x3800, s18  }
0xb7: {  	[hbm4b:s4+s3] =	stream.linear.scatter [tilespmem:s31], [sflag:$0x4], $0x1900, $0x38;
	v63 =	vld [tilespmem:$0x0]  }
0xb8: {  	s4 =	simm.s32 @!p0 $0x4  }
0xb9: {  	[hbm4b:s5+s3] =	stream.linear.scatter [tilespmem:s0], [sflag:$0x4], $0x1900, $0x38;
	v63 =	vld [tilespmem:$0x0]  }
0xba: {  	_ =	swait.ge @!p0 [sflag:s4], $0xC800  }
0xbb: {  	s16 =	sshra.s32 s20, $0x2;
	[sflag:s4] =	ssyncset.done @!p0 $0x0  }
0xbc: {  	s22 =	sadd.s32 $0x400, s16;
	[sflag:s4] =	ssyncadd.s32 @!p0 $0xFFFF3800  }
0xbd: {  	[tilespmem:s24], [sflag:$0x2] =	stream.indirect.gather [hbm4b:s1+s8], $0x80, s22, s8, $0xb8;
	v63 =	vld [tilespmem:$0x0]  }
0xbe: {  	s6 =	sadd.s32 $0x480, s16  }
0xbf: {  	[tilespmem:s25], [sflag:$0x2] =	stream.indirect.gather [hbm4b:s1+s8], $0x80, s6, s8, $0xb8;
	v63 =	vld [tilespmem:$0x0]  }
0xc0: {  	s7 =	sadd.s32 $0x500, s16  }
0xc1: {  	[tilespmem:s26], [sflag:$0x2] =	stream.indirect.gather [hbm4b:s1+s8], $0x80, s7, s8, $0xb8;
	v63 =	vld [tilespmem:$0x0]  }
0xc2: {  	s9 =	sadd.s32 $0x580, s16  }
0xc3: {  	[tilespmem:s28], [sflag:$0x2] =	stream.indirect.gather [hbm4b:s1+s8], $0x80, s9, s8, $0xb8;
	v63 =	vld [tilespmem:$0x0]  }
0xc4: {  	s11 =	sadd.s32 $0x600, s16  }
0xc5: {  	[tilespmem:s29], [sflag:$0x2] =	stream.indirect.gather [hbm4b:s1+s8], $0x80, s11, s8, $0xb8;
	v63 =	vld [tilespmem:$0x0]  }
0xc6: {  	s12 =	sadd.s32 $0x680, s16  }
0xc7: {  	[tilespmem:s30], [sflag:$0x2] =	stream.indirect.gather [hbm4b:s1+s8], $0x80, s12, s8, $0xb8;
	v63 =	vld [tilespmem:$0x0]  }
0xc8: {  	s14 =	sadd.s32 $0x700, s16  }
0xc9: {  	[tilespmem:s31], [sflag:$0x2] =	stream.indirect.gather [hbm4b:s1+s8], $0x80, s14, s8, $0xb8;
	v63 =	vld [tilespmem:$0x0]  }
0xca: {  	s16 =	sadd.s32 $0x780, s16  }
0xcb: {  	[tilespmem:s0], [sflag:$0x2] =	stream.indirect.gather [hbm4b:s1+s8], $0x80, s16, s8, $0xb8;
	v63 =	vld [tilespmem:$0x0]  }
0xcc: {  	_ =	swait.ge [sflag:s2], $0xC800  }
0xcd: {  	[sflag:s2] =	ssyncset.done $0x0  }
0xce: {  	[sflag:s2] =	ssyncadd.s32 $0xFFFF3800  }
0xcf: {  	[hbm4b:s18+s3] =	stream.linear.scatter [tilespmem:s13], [sflag:$0x3], $0x1900, $0x38;
	v63 =	vld [tilespmem:$0x0]  }
0xd0: {  	s22 =	sadd.s32 $0x380, s18  }
0xd1: {  	[hbm4b:s22+s3] =	stream.linear.scatter [tilespmem:s15], [sflag:$0x3], $0x1900, $0x38;
	v63 =	vld [tilespmem:$0x0]  }
0xd2: {  	s5 =	sadd.s32 $0x700, s18  }
0xd3: {  	[hbm4b:s5+s3] =	stream.linear.scatter [tilespmem:s17], [sflag:$0x3], $0x1900, $0x38;
	v63 =	vld [tilespmem:$0x0]  }
0xd4: {  	s6 =	sadd.s32 $0xA80, s18  }
0xd5: {  	[hbm4b:s6+s3] =	stream.linear.scatter [tilespmem:s19], [sflag:$0x3], $0x1900, $0x38;
	v63 =	vld [tilespmem:$0x0]  }
0xd6: {  	s7 =	sadd.s32 $0xE00, s18  }
0xd7: {  	[hbm4b:s7+s3] =	stream.linear.scatter [tilespmem:s21], [sflag:$0x3], $0x1900, $0x38;
	v63 =	vld [tilespmem:$0x0]  }
0xd8: {  	s9 =	sadd.s32 $0x1180, s18  }
0xd9: {  	[hbm4b:s9+s3] =	stream.linear.scatter [tilespmem:s23], [sflag:$0x3], $0x1900, $0x38;
	v63 =	vld [tilespmem:$0x0]  }
0xda: {  	p0 =	seq.s32 s20, $0xE000;
	s11 =	sadd.s32 $0x1500, s18;
	s12 =	simm.s32 $0xE800  }
0xdb: {  	[hbm4b:s11+s3] =	stream.linear.scatter [tilespmem:s12], [sflag:$0x3], $0x1900, $0x38;
	v63 =	vld [tilespmem:$0x0]  }
0xdc: {  	s4 =	simm.s32 @!p0 $0x3;
	s14 =	sadd.s32 $0x1880, s18;
	s16 =	simm.s32 $0x10400  }
0xdd: {  	[hbm4b:s14+s3] =	stream.linear.scatter [tilespmem:s16], [sflag:$0x3], $0x1900, $0x38;
	v63 =	vld [tilespmem:$0x0]  }
0xde: {  	s5 =	sshra.s32 @!p0 s20, $0x2;
	_ =	swait.ge @!p0 [sflag:s4], $0xC800  }
0xdf: {  	s6 =	sadd.s32 @!p0 $0x800, s5;
	[sflag:s4] =	ssyncset.done @!p0 $0x0  }
0xe0: {  	s7 =	simm.s32 @!p0 $0x32;
	[sflag:s4] =	ssyncadd.s32 @!p0 $0xFFFF3800;
	s4 =	simm.s32 @!p0 $0x4000  }
0xe1: {  	[tilespmem:s4], [sflag:$0x1] =	stream.indirect.gather @!p0 [hbm4b:s1+s7], $0x80, s6, s7, $0xb8;
	v63 =	vld [tilespmem:$0x0]  }
0xe2: {  	s4 =	sadd.s32 @!p0 $0x880, s5;
	s6 =	simm.s32 @!p0 $0x5C00  }
0xe3: {  	[tilespmem:s6], [sflag:$0x1] =	stream.indirect.gather @!p0 [hbm4b:s1+s7], $0x80, s4, s7, $0xb8;
	v63 =	vld [tilespmem:$0x0]  }
0xe4: {  	s4 =	sadd.s32 @!p0 $0x900, s5;
	s6 =	simm.s32 @!p0 $0x7800  }
0xe5: {  	[tilespmem:s6], [sflag:$0x1] =	stream.indirect.gather @!p0 [hbm4b:s1+s7], $0x80, s4, s7, $0xb8;
	v63 =	vld [tilespmem:$0x0]  }
0xe6: {  	s4 =	sadd.s32 @!p0 $0x980, s5;
	s6 =	simm.s32 @!p0 $0x9400  }
0xe7: {  	[tilespmem:s6], [sflag:$0x1] =	stream.indirect.gather @!p0 [hbm4b:s1+s7], $0x80, s4, s7, $0xb8;
	v63 =	vld [tilespmem:$0x0]  }
0xe8: {  	s4 =	sadd.s32 @!p0 $0xA00, s5;
	s6 =	simm.s32 @!p0 $0xB000  }
0xe9: {  	[tilespmem:s6], [sflag:$0x1] =	stream.indirect.gather @!p0 [hbm4b:s1+s7], $0x80, s4, s7, $0xb8;
	v63 =	vld [tilespmem:$0x0]  }
0xea: {  	s4 =	sadd.s32 @!p0 $0xA80, s5;
	s6 =	simm.s32 @!p0 $0xCC00  }
0xeb: {  	[tilespmem:s6], [sflag:$0x1] =	stream.indirect.gather @!p0 [hbm4b:s1+s7], $0x80, s4, s7, $0xb8;
	v63 =	vld [tilespmem:$0x0]  }
0xec: {  	s4 =	sadd.s32 @!p0 $0xB00, s5;
	s6 =	simm.s32 @!p0 $0xE800  }
0xed: {  	[tilespmem:s6], [sflag:$0x1] =	stream.indirect.gather @!p0 [hbm4b:s1+s7], $0x80, s4, s7, $0xb8;
	v63 =	vld [tilespmem:$0x0]  }
0xee: {  	s4 =	sadd.s32 @!p0 $0xB80, s5;
	s5 =	simm.s32 @!p0 $0x10400  }
0xef: {  	[tilespmem:s5], [sflag:$0x1] =	stream.indirect.gather @!p0 [hbm4b:s1+s7], $0x80, s4, s7, $0xb8;
	v63 =	vld [tilespmem:$0x0]  }
0xf0: {  	_ =	swait.ge [sflag:s10], $0xC800  }
0xf1: {  	[sflag:s10] =	ssyncset.done $0x0  }
0xf2: {  	s22 =	sadd.s32 $0x1C00, s18;
	[sflag:s10] =	ssyncadd.s32 $0xFFFF3800  }
0xf3: {  	[hbm4b:s22+s3] =	stream.linear.scatter [tilespmem:s24], [sflag:$0x4], $0x1900, $0x38;
	v63 =	vld [tilespmem:$0x0]  }
0xf4: {  	s5 =	sadd.s32 $0x1F80, s18  }
0xf5: {  	[hbm4b:s5+s3] =	stream.linear.scatter [tilespmem:s25], [sflag:$0x4], $0x1900, $0x38;
	v63 =	vld [tilespmem:$0x0]  }
0xf6: {  	s6 =	sadd.s32 $0x2300, s18  }
0xf7: {  	[hbm4b:s6+s3] =	stream.linear.scatter [tilespmem:s26], [sflag:$0x4], $0x1900, $0x38;
	v63 =	vld [tilespmem:$0x0]  }
0xf8: {  	s7 =	sadd.s32 $0x2680, s18  }
0xf9: {  	[hbm4b:s7+s3] =	stream.linear.scatter [tilespmem:s28], [sflag:$0x4], $0x1900, $0x38;
	v63 =	vld [tilespmem:$0x0]  }
0xfa: {  	s9 =	sadd.s32 $0x2A00, s18  }
0xfb: {  	[hbm4b:s9+s3] =	stream.linear.scatter [tilespmem:s29], [sflag:$0x4], $0x1900, $0x38;
	v63 =	vld [tilespmem:$0x0]  }
0xfc: {  	s11 =	sadd.s32 $0x2D80, s18  }
0xfd: {  	[hbm4b:s11+s3] =	stream.linear.scatter [tilespmem:s30], [sflag:$0x4], $0x1900, $0x38;
	v63 =	vld [tilespmem:$0x0]  }
0xfe: {  	s12 =	sadd.s32 $0x3100, s18  }
0xff: {  	[hbm4b:s12+s3] =	stream.linear.scatter [tilespmem:s31], [sflag:$0x4], $0x1900, $0x38;
	v63 =	vld [tilespmem:$0x0]  }
0x100: {  	s14 =	sadd.s32 $0x3480, s18;
	s16 =	simm.s32 $0x3  }
0x101: {  	[hbm4b:s14+s3] =	stream.linear.scatter [tilespmem:s0], [sflag:$0x4], $0x1900, $0x38;
	v63 =	vld [tilespmem:$0x0]  }
0x102: {  	_ =	swait.ge [sflag:s16], $0xC800  }
0x103: {  	[sflag:s16] =	ssyncset.done $0x0  }
0x104: {  	s18 =	simm.s32 $0x4;
	[sflag:s16] =	ssyncadd.s32 $0xFFFF3800  }
0x105: {  	_ =	swait.ge [sflag:s18], $0xC800  }
0x106: {  	s20 =	rddreg [dreg:$0x7]  }
0x107: {  	s22 =	rddreg [dreg:$0x5];
	s6 =	sadd.s32 $0x1, s20  }
0x108: {  	p0 =	sne.s32 s6, s22  }
.Ltmp1:
0x109: {  	_ = 	snop;
	(pc) =	sbr.rel @p0 .LBB2_1-.Ltmp1, $3  }
0x10a: {  	_ =	sdelay $0x1  }
0x10b: {  	[sflag:s18] =	ssyncset.done $0x0  }
0x10c: {  	[sflag:s18] =	ssyncadd.s32 $0xFFFF3800  }
0x10d: {  	_ =	sfence.sel $0x180000  }
0x10e: {  	[bflag:$0x0] =	sbarrier.arrive $0xFFFF  }
0x10f: {  	_ =	strace $0x90000047  }
0x110: {  	s0 =	stileid.u32;
	[bflag:$0x2] =	sbarrier.arrive $0xFFFF  }
0x111: {  	p0 =	sne.s32 s0, $0x0;
	s0 =	rddreg [dreg:$0x3]  }
0x112: {  	s0 =	sadd.s32 @!p0 $0x100000, s0  }
0x113: {  	[sflag:s0] =	ssyncadd.tile.s32 @!p0 $0x1;
	_ =	shalt  }
.Lfunc_end2:
_tile_overlayer_lowered:
.L_overlay_start_2:
0x114: {  	(tag) =	ssettag $0x2  }
0x115: {  	s0 =	rddreg [dreg:$0x0];
	s2 =	stileid.u32  }
0x116: {  	s1 =	rddreg [dreg:$0x1];
	p0 =	sne.s32 s2, $0x0  }
0x117: {  	s3 =	rddreg [dreg:$0x2];
	[bflag:$0x3] =	sbarrier.arrive $0xFFFF;
	s2 =	simm.s32 @!p0 $0x1C05  }
0x118: {  	[timem:s3], [sflag:s2] =	dma.local @!p0 [hbm:s0], s1  }
0x119: {  	s0 =	simm.s32 @!p0 $0x5  }
0x11a: {  	_ =	swait.ge @!p0 [sflag:s0], s1  }
0x11b: {  	s1 =	ssub.s32 @!p0 $0x0, s1;
	[sflag:s0] =	ssyncset.done @!p0 $0x0  }
0x11c: {  	[sflag:s0] =	ssyncadd.s32 @!p0 s1  }
0x11d: {  	[bflag:$0x3] =	sbarrier.arrive $0xFFFF  }
0x11e: {  	_ =	shalt  }

</sc_bundles>
